<compile_context>
chip_gen: v7x
topology: tpu7x:2x2x1
jax: 0.10.2.dev20260603
libtpu: 0.0.44.dev20260713+nightly
codegen_flags: <defaults>
</compile_context>

<pallas_src>
import functools

import jax
import jax.numpy as jnp
from jax import lax
from jax.experimental import pallas as pl
from jax.experimental.pallas import tpu as pltpu
from jax.experimental.pallas import tpu_sc as plsc

VOCAB = 1000000
DIM = 32
B = 16384
L = 200

VB = 32768
N_VBLK = 31
PV = N_VBLK * VB

NC, NS = 2, 16
NW = NC * NS
N_TOK = B * L
PER_W = N_TOK // NW
CHUNK = 4096
N_CHUNKS = PER_W // CHUNK
SEG = PV // NS


def _project_body(x_ref, w_ref, b_ref, o_ref):
    o_ref[:] = jnp.sum(x_ref[:] * w_ref[:], axis=0) + b_ref[0, 0]


def _project(table_t, w_col, b2):
    return pl.pallas_call(
        _project_body,
        grid=(N_VBLK,),
        in_specs=[
            pl.BlockSpec((DIM, VB), lambda i: (0, i)),
            pl.BlockSpec((DIM, 1), lambda i: (0, 0)),
            pl.BlockSpec((1, 1), lambda i: (0, 0), memory_space=pltpu.SMEM),
        ],
        out_specs=pl.BlockSpec((VB,), lambda i: (i,)),
        out_shape=jax.ShapeDtypeStruct((PV,), jnp.float32),
    )(table_t, w_col, b2)


def _gather_body(p_hbm, idx_hbm, out_hbm, p_sh,
                 idx_v0, idx_v1, idx_v2, val_v0, val_v1,
                 sem_stage, si0, si1, si2, sg0, sg1, so0, so1):
    sid = lax.axis_index("s")
    wid = sid * NC + lax.axis_index("c")
    base = wid * PER_W
    idxs = (idx_v0, idx_v1, idx_v2)
    vals = (val_v0, val_v1)
    si = (si0, si1, si2)
    sg = (sg0, sg1)
    so = (so0, so1)

    def load_idx(j):
        return pltpu.async_copy(
            idx_hbm.at[pl.ds(base + j * CHUNK, CHUNK)], idxs[j % 3], si[j % 3])

    def gather(j):
        return pltpu.async_copy(p_sh.at[idxs[j % 3]], vals[j % 2], sg[j % 2])

    def store(j):
        return pltpu.async_copy(
            vals[j % 2], out_hbm.at[pl.ds(base + j * CHUNK, CHUNK)], so[j % 2])

    h_stage = pltpu.async_copy(p_hbm.at[pl.ds(sid * SEG, SEG)],
                               p_sh.at[pl.ds(sid * SEG, SEG)], sem_stage)
    h_i = {j: load_idx(j) for j in range(min(3, N_CHUNKS))}
    h_stage.wait()
    plsc.subcore_barrier()
    h_i[0].wait()
    h_g = {0: gather(0)}
    h_o = {}
    for j in range(N_CHUNKS):
        if j + 1 < N_CHUNKS:
            h_i[j + 1].wait()
            if j >= 1:
                h_o[j - 1].wait()
            h_g[j + 1] = gather(j + 1)
        h_g[j].wait()
        if j + 3 < N_CHUNKS:
            h_i[j + 3] = load_idx(j + 3)
        h_o[j] = store(j)
    h_o[N_CHUNKS - 2].wait()
    h_o[N_CHUNKS - 1].wait()


_sc_gather = functools.partial(
    pl.kernel,
    mesh=plsc.VectorSubcoreMesh(core_axis_name="c", subcore_axis_name="s"),
    out_type=jax.ShapeDtypeStruct((N_TOK,), jnp.float32),
    scratch_types=[
        pltpu.VMEM_SHARED((PV,), jnp.float32),
        pltpu.VMEM((CHUNK,), jnp.int32),
        pltpu.VMEM((CHUNK,), jnp.int32),
        pltpu.VMEM((CHUNK,), jnp.int32),
        pltpu.VMEM((CHUNK,), jnp.float32),
        pltpu.VMEM((CHUNK,), jnp.float32),
        pltpu.SemaphoreType.DMA,
        pltpu.SemaphoreType.DMA,
        pltpu.SemaphoreType.DMA,
        pltpu.SemaphoreType.DMA,
        pltpu.SemaphoreType.DMA,
        pltpu.SemaphoreType.DMA,
        pltpu.SemaphoreType.DMA,
        pltpu.SemaphoreType.DMA,
    ],
)(_gather_body)


def kernel(token_ids, embed_table, W, b):
    table_t = embed_table.T
    w_col = W.reshape(DIM, 1)
    b2 = jnp.broadcast_to(b.astype(jnp.float32), (1, 1))
    p = _project(table_t, w_col, b2)
    idx = (token_ids.T.astype(jnp.int32)
           .reshape(L // 8, 8, B // 128, 128)
           .swapaxes(1, 2)
           .reshape(N_TOK))
    out = _sc_gather(p, idx)
    return (out.reshape(L // 8, B // 128, 8, 128)
            .swapaxes(1, 2)
            .reshape(L, B)
            .T)

# --- scband reference (transcript-rebuilt; emitter-appended) ---
"""Pipeline reference for scband-embedding-model-82540681495069 (READ-ONLY COPY).

The authoritative reference and input builder live on the scoring server;
editing this copy changes nothing except your own understanding.
"""

import jax, jax.numpy as jnp
import numpy as np

VOCAB = 1000000
DIM = 32
B = 16384
L = 200

def setup_inputs(seed: int = 0) -> dict:
    key = jax.random.key(seed)
    k1, k2, k3 = jax.random.split(key, 3)
    token_ids = jax.random.randint(k1, (B, L), 0, VOCAB, dtype=jnp.int64 if jax.config.jax_enable_x64 else jnp.int32)
    embed_table = jax.random.normal(k2, (VOCAB, DIM), dtype=jnp.float32) * 0.02
    W = jax.random.normal(k3, (1, DIM), dtype=jnp.float32) * (1.0 / np.sqrt(DIM))
    b = jnp.zeros((1,), dtype=jnp.float32)
    return {"token_ids": token_ids, "embed_table": embed_table, "W": W, "b": b}

def reference(token_ids, embed_table, W, b):
    # nn.Embedding: gather rows of the table
    x = jnp.take(embed_table, token_ids, axis=0)  # [B, L, DIM]
    # nn.Linear(dim, 1): x @ W.T + b, then squeeze(-1)
    out = jnp.einsum('bld,od->blo', x, W) + b  # [B, L, 1]
    return jnp.squeeze(out, axis=-1)  # [B, L]

if __name__ == "__main__":
    import jax
    _d = setup_inputs()
    print(jax.jit(kernel)(*tuple(_d.values())))

</pallas_src>

<mosaic_0001>
#map = affine_map<(d0, d1) -> (0)>
module attributes {stable_mosaic.version = 14 : i64} {
  func.func @_gather_body(%arg0: i32, %arg1: i32, %arg2: memref<1015808xf32, #tpu.memory_space<hbm>>, %arg3: memref<3276800xi32, #tpu.memory_space<hbm>>, %arg4: memref<3276800xf32, #tpu.memory_space<hbm>>, %arg5: memref<1015808xf32, #tpu.memory_space<vmem_shared>>, %arg6: memref<4096xi32, #tpu.memory_space<vmem>>, %arg7: memref<4096xi32, #tpu.memory_space<vmem>>, %arg8: memref<4096xi32, #tpu.memory_space<vmem>>, %arg9: memref<4096xf32, #tpu.memory_space<vmem>>, %arg10: memref<4096xf32, #tpu.memory_space<vmem>>, %arg11: memref<!tpu.dma_semaphore, #tpu.memory_space<semaphore_mem>>, %arg12: memref<!tpu.dma_semaphore, #tpu.memory_space<semaphore_mem>>, %arg13: memref<!tpu.dma_semaphore, #tpu.memory_space<semaphore_mem>>, %arg14: memref<!tpu.dma_semaphore, #tpu.memory_space<semaphore_mem>>, %arg15: memref<!tpu.dma_semaphore, #tpu.memory_space<semaphore_mem>>, %arg16: memref<!tpu.dma_semaphore, #tpu.memory_space<semaphore_mem>>, %arg17: memref<!tpu.dma_semaphore, #tpu.memory_space<semaphore_mem>>, %arg18: memref<!tpu.dma_semaphore, #tpu.memory_space<semaphore_mem>>) attributes {dimension_semantics = [#tpu.dimension_semantics<core_parallel>, #tpu.dimension_semantics<subcore_parallel>], iteration_bounds = array<i64: 2, 16>, scalar_prefetch = 0 : i64, scratch_operands = 14 : i64, tpu.core_type = #tpu.core_type<sc_vector_subcore>, window_params = [{transform_indices = #map}, {transform_indices = #map}, {transform_indices = #map}]} {
    %mul3A = arith.constant 2 : i32
    %mul3A_0 = arith.muli %arg1, %mul3A : i32
    %add3A = arith.addi %mul3A_0, %arg0 : i32
    %mul3A_1 = arith.constant 102400 : i32
    %mul3A_2 = arith.muli %add3A, %mul3A_1 : i32
    %mul3A_3 = arith.constant 63488 : i32
    %mul3A_4 = arith.muli %arg1, %mul3A_3 : i32
    %mul3A_5 = arith.constant 63488 : i32
    %mul3A_6 = arith.muli %arg1, %mul3A_5 : i32
    %dma_start3A = tpu.memref_slice %arg5[%mul3A_6] : memref<1015808xf32, #tpu.memory_space<vmem_shared>> -> memref<63488xf32, #tpu.memory_space<vmem_shared>>
    %dma_start3A_7 = tpu.memref_slice %arg2[%mul3A_4] : memref<1015808xf32, #tpu.memory_space<hbm>> -> memref<63488xf32, #tpu.memory_space<hbm>>
    tpu.enqueue_dma source(%dma_start3A_7 : memref<63488xf32, #tpu.memory_space<hbm>>) target(%dma_start3A : memref<63488xf32, #tpu.memory_space<vmem_shared>>) target_semaphore(%arg11 : memref<!tpu.dma_semaphore, #tpu.memory_space<semaphore_mem>>)
    %add3A_8 = arith.constant 0 : i32
    %add3A_9 = arith.addi %mul3A_2, %add3A_8 : i32
    %dma_start3A_10 = tpu.memref_slice %arg3[%add3A_9] : memref<3276800xi32, #tpu.memory_space<hbm>> -> memref<4096xi32, #tpu.memory_space<hbm>>
    %dma_start3A_11 = tpu.memref_slice %arg3[%add3A_9] : memref<3276800xi32, #tpu.memory_space<hbm>> -> memref<4096xi32, #tpu.memory_space<hbm>>
    tpu.enqueue_dma source(%dma_start3A_11 : memref<4096xi32, #tpu.memory_space<hbm>>) target(%arg6 : memref<4096xi32, #tpu.memory_space<vmem>>) target_semaphore(%arg12 : memref<!tpu.dma_semaphore, #tpu.memory_space<semaphore_mem>>)
    %add3A_12 = arith.constant 4096 : i32
    %add3A_13 = arith.addi %mul3A_2, %add3A_12 : i32
    %dma_start3A_14 = tpu.memref_slice %arg3[%add3A_13] : memref<3276800xi32, #tpu.memory_space<hbm>> -> memref<4096xi32, #tpu.memory_space<hbm>>
    %dma_start3A_15 = tpu.memref_slice %arg3[%add3A_13] : memref<3276800xi32, #tpu.memory_space<hbm>> -> memref<4096xi32, #tpu.memory_space<hbm>>
    tpu.enqueue_dma source(%dma_start3A_15 : memref<4096xi32, #tpu.memory_space<hbm>>) target(%arg7 : memref<4096xi32, #tpu.memory_space<vmem>>) target_semaphore(%arg13 : memref<!tpu.dma_semaphore, #tpu.memory_space<semaphore_mem>>)
    %add3A_16 = arith.constant 8192 : i32
    %add3A_17 = arith.addi %mul3A_2, %add3A_16 : i32
    %dma_start3A_18 = tpu.memref_slice %arg3[%add3A_17] : memref<3276800xi32, #tpu.memory_space<hbm>> -> memref<4096xi32, #tpu.memory_space<hbm>>
    %dma_start3A_19 = tpu.memref_slice %arg3[%add3A_17] : memref<3276800xi32, #tpu.memory_space<hbm>> -> memref<4096xi32, #tpu.memory_space<hbm>>
    tpu.enqueue_dma source(%dma_start3A_19 : memref<4096xi32, #tpu.memory_space<hbm>>) target(%arg8 : memref<4096xi32, #tpu.memory_space<vmem>>) target_semaphore(%arg14 : memref<!tpu.dma_semaphore, #tpu.memory_space<semaphore_mem>>)
    %dma_wait3A = tpu.memref_slice %arg5[%mul3A_6] : memref<1015808xf32, #tpu.memory_space<vmem_shared>> -> memref<63488xf32, #tpu.memory_space<vmem_shared>>
    %dma_wait3A_20 = tpu.memref_slice %arg2[%mul3A_4] : memref<1015808xf32, #tpu.memory_space<hbm>> -> memref<63488xf32, #tpu.memory_space<hbm>>
    tpu.wait_dma2 semaphore(%arg11 : memref<!tpu.dma_semaphore, #tpu.memory_space<semaphore_mem>>) src(%dma_wait3A_20 : memref<63488xf32, #tpu.memory_space<hbm>>) dst(%dma_wait3A : memref<63488xf32, #tpu.memory_space<vmem_shared>>)
    %barrier3A = arith.constant 0 : index
    tpu.barrier barrier_id(%barrier3A)
    %dma_wait3A_21 = tpu.memref_slice %arg3[%add3A_9] : memref<3276800xi32, #tpu.memory_space<hbm>> -> memref<4096xi32, #tpu.memory_space<hbm>>
    %dma_wait3A_22 = tpu.memref_slice %arg3[%add3A_9] : memref<3276800xi32, #tpu.memory_space<hbm>> -> memref<4096xi32, #tpu.memory_space<hbm>>
    tpu.wait_dma2 semaphore(%arg12 : memref<!tpu.dma_semaphore, #tpu.memory_space<semaphore_mem>>) src(%dma_wait3A_22 : memref<4096xi32, #tpu.memory_space<hbm>>) dst(%arg6 : memref<4096xi32, #tpu.memory_space<vmem>>)
    %dma_start3A_23 = arith.constant 0 : i32
    %dma_start3A_24 = tpu.memref_slice %arg5[%dma_start3A_23] : memref<1015808xf32, #tpu.memory_space<vmem_shared>> -> memref<1015808xf32, #tpu.memory_space<vmem_shared>>
    tpu.enqueue_indirect_dma source(%dma_start3A_24 : memref<1015808xf32, #tpu.memory_space<vmem_shared>>) target(%arg9 : memref<4096xf32, #tpu.memory_space<vmem>>) offsets(%arg6 : memref<4096xi32, #tpu.memory_space<vmem>>) semaphore(%arg15 : memref<!tpu.dma_semaphore, #tpu.memory_space<semaphore_mem>>)
    %dma_wait3A_25 = tpu.memref_slice %arg3[%add3A_13] : memref<3276800xi32, #tpu.memory_space<hbm>> -> memref<4096xi32, #tpu.memory_space<hbm>>
    %dma_wait3A_26 = tpu.memref_slice %arg3[%add3A_13] : memref<3276800xi32, #tpu.memory_space<hbm>> -> memref<4096xi32, #tpu.memory_space<hbm>>
    tpu.wait_dma2 semaphore(%arg13 : memref<!tpu.dma_semaphore, #tpu.memory_space<semaphore_mem>>) src(%dma_wait3A_26 : memref<4096xi32, #tpu.memory_space<hbm>>) dst(%arg7 : memref<4096xi32, #tpu.memory_space<vmem>>)
    %dma_start3A_27 = arith.constant 0 : i32
    %dma_start3A_28 = tpu.memref_slice %arg5[%dma_start3A_27] : memref<1015808xf32, #tpu.memory_space<vmem_shared>> -> memref<1015808xf32, #tpu.memory_space<vmem_shared>>
    tpu.enqueue_indirect_dma source(%dma_start3A_28 : memref<1015808xf32, #tpu.memory_space<vmem_shared>>) target(%arg10 : memref<4096xf32, #tpu.memory_space<vmem>>) offsets(%arg7 : memref<4096xi32, #tpu.memory_space<vmem>>) semaphore(%arg16 : memref<!tpu.dma_semaphore, #tpu.memory_space<semaphore_mem>>)
    %dma_wait3A_29 = arith.constant 0 : i32
    %dma_wait3A_30 = tpu.memref_slice %arg5[%dma_wait3A_29] : memref<1015808xf32, #tpu.memory_space<vmem_shared>> -> memref<1015808xf32, #tpu.memory_space<vmem_shared>>
    tpu.wait_indirect_dma semaphore(%arg15 : memref<!tpu.dma_semaphore, #tpu.memory_space<semaphore_mem>>) src(%dma_wait3A_30 : memref<1015808xf32, #tpu.memory_space<vmem_shared>>) dst(%arg9 : memref<4096xf32, #tpu.memory_space<vmem>>)
    %add3A_31 = arith.constant 12288 : i32
    %add3A_32 = arith.addi %mul3A_2, %add3A_31 : i32
    %dma_start3A_33 = tpu.memref_slice %arg3[%add3A_32] : memref<3276800xi32, #tpu.memory_space<hbm>> -> memref<4096xi32, #tpu.memory_space<hbm>>
    %dma_start3A_34 = tpu.memref_slice %arg3[%add3A_32] : memref<3276800xi32, #tpu.memory_space<hbm>> -> memref<4096xi32, #tpu.memory_space<hbm>>
    tpu.enqueue_dma source(%dma_start3A_34 : memref<4096xi32, #tpu.memory_space<hbm>>) target(%arg6 : memref<4096xi32, #tpu.memory_space<vmem>>) target_semaphore(%arg12 : memref<!tpu.dma_semaphore, #tpu.memory_space<semaphore_mem>>)
    %add3A_35 = arith.constant 0 : i32
    %add3A_36 = arith.addi %mul3A_2, %add3A_35 : i32
    %dma_start3A_37 = tpu.memref_slice %arg4[%add3A_36] : memref<3276800xf32, #tpu.memory_space<hbm>> -> memref<4096xf32, #tpu.memory_space<hbm>>
    %dma_start3A_38 = tpu.memref_slice %arg4[%add3A_36] : memref<3276800xf32, #tpu.memory_space<hbm>> -> memref<4096xf32, #tpu.memory_space<hbm>>
    tpu.enqueue_dma source(%arg9 : memref<4096xf32, #tpu.memory_space<vmem>>) target(%dma_start3A_38 : memref<4096xf32, #tpu.memory_space<hbm>>) target_semaphore(%arg17 : memref<!tpu.dma_semaphore, #tpu.memory_space<semaphore_mem>>)
    %dma_wait3A_39 = tpu.memref_slice %arg3[%add3A_17] : memref<3276800xi32, #tpu.memory_space<hbm>> -> memref<4096xi32, #tpu.memory_space<hbm>>
    %dma_wait3A_40 = tpu.memref_slice %arg3[%add3A_17] : memref<3276800xi32, #tpu.memory_space<hbm>> -> memref<4096xi32, #tpu.memory_space<hbm>>
    tpu.wait_dma2 semaphore(%arg14 : memref<!tpu.dma_semaphore, #tpu.memory_space<semaphore_mem>>) src(%dma_wait3A_40 : memref<4096xi32, #tpu.memory_space<hbm>>) dst(%arg8 : memref<4096xi32, #tpu.memory_space<vmem>>)
    %dma_wait3A_41 = tpu.memref_slice %arg4[%add3A_36] : memref<3276800xf32, #tpu.memory_space<hbm>> -> memref<4096xf32, #tpu.memory_space<hbm>>
    %dma_wait3A_42 = tpu.memref_slice %arg4[%add3A_36] : memref<3276800xf32, #tpu.memory_space<hbm>> -> memref<4096xf32, #tpu.memory_space<hbm>>
    tpu.wait_dma2 semaphore(%arg17 : memref<!tpu.dma_semaphore, #tpu.memory_space<semaphore_mem>>) src(%arg9 : memref<4096xf32, #tpu.memory_space<vmem>>) dst(%dma_wait3A_42 : memref<4096xf32, #tpu.memory_space<hbm>>)
    %dma_start3A_43 = arith.constant 0 : i32
    %dma_start3A_44 = tpu.memref_slice %arg5[%dma_start3A_43] : memref<1015808xf32, #tpu.memory_space<vmem_shared>> -> memref<1015808xf32, #tpu.memory_space<vmem_shared>>
    tpu.enqueue_indirect_dma source(%dma_start3A_44 : memref<1015808xf32, #tpu.memory_space<vmem_shared>>) target(%arg9 : memref<4096xf32, #tpu.memory_space<vmem>>) offsets(%arg8 : memref<4096xi32, #tpu.memory_space<vmem>>) semaphore(%arg15 : memref<!tpu.dma_semaphore, #tpu.memory_space<semaphore_mem>>)
    %dma_wait3A_45 = arith.constant 0 : i32
    %dma_wait3A_46 = tpu.memref_slice %arg5[%dma_wait3A_45] : memref<1015808xf32, #tpu.memory_space<vmem_shared>> -> memref<1015808xf32, #tpu.memory_space<vmem_shared>>
    tpu.wait_indirect_dma semaphore(%arg16 : memref<!tpu.dma_semaphore, #tpu.memory_space<semaphore_mem>>) src(%dma_wait3A_46 : memref<1015808xf32, #tpu.memory_space<vmem_shared>>) dst(%arg10 : memref<4096xf32, #tpu.memory_space<vmem>>)
    %add3A_47 = arith.constant 16384 : i32
    %add3A_48 = arith.addi %mul3A_2, %add3A_47 : i32
    %dma_start3A_49 = tpu.memref_slice %arg3[%add3A_48] : memref<3276800xi32, #tpu.memory_space<hbm>> -> memref<4096xi32, #tpu.memory_space<hbm>>
    %dma_start3A_50 = tpu.memref_slice %arg3[%add3A_48] : memref<3276800xi32, #tpu.memory_space<hbm>> -> memref<4096xi32, #tpu.memory_space<hbm>>
    tpu.enqueue_dma source(%dma_start3A_50 : memref<4096xi32, #tpu.memory_space<hbm>>) target(%arg7 : memref<4096xi32, #tpu.memory_space<vmem>>) target_semaphore(%arg13 : memref<!tpu.dma_semaphore, #tpu.memory_space<semaphore_mem>>)
    %add3A_51 = arith.constant 4096 : i32
    %add3A_52 = arith.addi %mul3A_2, %add3A_51 : i32
    %dma_start3A_53 = tpu.memref_slice %arg4[%add3A_52] : memref<3276800xf32, #tpu.memory_space<hbm>> -> memref<4096xf32, #tpu.memory_space<hbm>>
    %dma_start3A_54 = tpu.memref_slice %arg4[%add3A_52] : memref<3276800xf32, #tpu.memory_space<hbm>> -> memref<4096xf32, #tpu.memory_space<hbm>>
    tpu.enqueue_dma source(%arg10 : memref<4096xf32, #tpu.memory_space<vmem>>) target(%dma_start3A_54 : memref<4096xf32, #tpu.memory_space<hbm>>) target_semaphore(%arg18 : memref<!tpu.dma_semaphore, #tpu.memory_space<semaphore_mem>>)
    %dma_wait3A_55 = tpu.memref_slice %arg3[%add3A_32] : memref<3276800xi32, #tpu.memory_space<hbm>> -> memref<4096xi32, #tpu.memory_space<hbm>>
    %dma_wait3A_56 = tpu.memref_slice %arg3[%add3A_32] : memref<3276800xi32, #tpu.memory_space<hbm>> -> memref<4096xi32, #tpu.memory_space<hbm>>
    tpu.wait_dma2 semaphore(%arg12 : memref<!tpu.dma_semaphore, #tpu.memory_space<semaphore_mem>>) src(%dma_wait3A_56 : memref<4096xi32, #tpu.memory_space<hbm>>) dst(%arg6 : memref<4096xi32, #tpu.memory_space<vmem>>)
    %dma_wait3A_57 = tpu.memref_slice %arg4[%add3A_52] : memref<3276800xf32, #tpu.memory_space<hbm>> -> memref<4096xf32, #tpu.memory_space<hbm>>
    %dma_wait3A_58 = tpu.memref_slice %arg4[%add3A_52] : memref<3276800xf32, #tpu.memory_space<hbm>> -> memref<4096xf32, #tpu.memory_space<hbm>>
    tpu.wait_dma2 semaphore(%arg18 : memref<!tpu.dma_semaphore, #tpu.memory_space<semaphore_mem>>) src(%arg10 : memref<4096xf32, #tpu.memory_space<vmem>>) dst(%dma_wait3A_58 : memref<4096xf32, #tpu.memory_space<hbm>>)
    %dma_start3A_59 = arith.constant 0 : i32
    %dma_start3A_60 = tpu.memref_slice %arg5[%dma_start3A_59] : memref<1015808xf32, #tpu.memory_space<vmem_shared>> -> memref<1015808xf32, #tpu.memory_space<vmem_shared>>
    tpu.enqueue_indirect_dma source(%dma_start3A_60 : memref<1015808xf32, #tpu.memory_space<vmem_shared>>) target(%arg10 : memref<4096xf32, #tpu.memory_space<vmem>>) offsets(%arg6 : memref<4096xi32, #tpu.memory_space<vmem>>) semaphore(%arg16 : memref<!tpu.dma_semaphore, #tpu.memory_space<semaphore_mem>>)
    %dma_wait3A_61 = arith.constant 0 : i32
    %dma_wait3A_62 = tpu.memref_slice %arg5[%dma_wait3A_61] : memref<1015808xf32, #tpu.memory_space<vmem_shared>> -> memref<1015808xf32, #tpu.memory_space<vmem_shared>>
    tpu.wait_indirect_dma semaphore(%arg15 : memref<!tpu.dma_semaphore, #tpu.memory_space<semaphore_mem>>) src(%dma_wait3A_62 : memref<1015808xf32, #tpu.memory_space<vmem_shared>>) dst(%arg9 : memref<4096xf32, #tpu.memory_space<vmem>>)
    %add3A_63 = arith.constant 20480 : i32
    %add3A_64 = arith.addi %mul3A_2, %add3A_63 : i32
    %dma_start3A_65 = tpu.memref_slice %arg3[%add3A_64] : memref<3276800xi32, #tpu.memory_space<hbm>> -> memref<4096xi32, #tpu.memory_space<hbm>>
    %dma_start3A_66 = tpu.memref_slice %arg3[%add3A_64] : memref<3276800xi32, #tpu.memory_space<hbm>> -> memref<4096xi32, #tpu.memory_space<hbm>>
    tpu.enqueue_dma source(%dma_start3A_66 : memref<4096xi32, #tpu.memory_space<hbm>>) target(%arg8 : memref<4096xi32, #tpu.memory_space<vmem>>) target_semaphore(%arg14 : memref<!tpu.dma_semaphore, #tpu.memory_space<semaphore_mem>>)
    %add3A_67 = arith.constant 8192 : i32
    %add3A_68 = arith.addi %mul3A_2, %add3A_67 : i32
    %dma_start3A_69 = tpu.memref_slice %arg4[%add3A_68] : memref<3276800xf32, #tpu.memory_space<hbm>> -> memref<4096xf32, #tpu.memory_space<hbm>>
    %dma_start3A_70 = tpu.memref_slice %arg4[%add3A_68] : memref<3276800xf32, #tpu.memory_space<hbm>> -> memref<4096xf32, #tpu.memory_space<hbm>>
    tpu.enqueue_dma source(%arg9 : memref<4096xf32, #tpu.memory_space<vmem>>) target(%dma_start3A_70 : memref<4096xf32, #tpu.memory_space<hbm>>) target_semaphore(%arg17 : memref<!tpu.dma_semaphore, #tpu.memory_space<semaphore_mem>>)
    %dma_wait3A_71 = tpu.memref_slice %arg3[%add3A_48] : memref<3276800xi32, #tpu.memory_space<hbm>> -> memref<4096xi32, #tpu.memory_space<hbm>>
    %dma_wait3A_72 = tpu.memref_slice %arg3[%add3A_48] : memref<3276800xi32, #tpu.memory_space<hbm>> -> memref<4096xi32, #tpu.memory_space<hbm>>
    tpu.wait_dma2 semaphore(%arg13 : memref<!tpu.dma_semaphore, #tpu.memory_space<semaphore_mem>>) src(%dma_wait3A_72 : memref<4096xi32, #tpu.memory_space<hbm>>) dst(%arg7 : memref<4096xi32, #tpu.memory_space<vmem>>)
    %dma_wait3A_73 = tpu.memref_slice %arg4[%add3A_68] : memref<3276800xf32, #tpu.memory_space<hbm>> -> memref<4096xf32, #tpu.memory_space<hbm>>
    %dma_wait3A_74 = tpu.memref_slice %arg4[%add3A_68] : memref<3276800xf32, #tpu.memory_space<hbm>> -> memref<4096xf32, #tpu.memory_space<hbm>>
    tpu.wait_dma2 semaphore(%arg17 : memref<!tpu.dma_semaphore, #tpu.memory_space<semaphore_mem>>) src(%arg9 : memref<4096xf32, #tpu.memory_space<vmem>>) dst(%dma_wait3A_74 : memref<4096xf32, #tpu.memory_space<hbm>>)
    %dma_start3A_75 = arith.constant 0 : i32
    %dma_start3A_76 = tpu.memref_slice %arg5[%dma_start3A_75] : memref<1015808xf32, #tpu.memory_space<vmem_shared>> -> memref<1015808xf32, #tpu.memory_space<vmem_shared>>
    tpu.enqueue_indirect_dma source(%dma_start3A_76 : memref<1015808xf32, #tpu.memory_space<vmem_shared>>) target(%arg9 : memref<4096xf32, #tpu.memory_space<vmem>>) offsets(%arg7 : memref<4096xi32, #tpu.memory_space<vmem>>) semaphore(%arg15 : memref<!tpu.dma_semaphore, #tpu.memory_space<semaphore_mem>>)
    %dma_wait3A_77 = arith.constant 0 : i32
    %dma_wait3A_78 = tpu.memref_slice %arg5[%dma_wait3A_77] : memref<1015808xf32, #tpu.memory_space<vmem_shared>> -> memref<1015808xf32, #tpu.memory_space<vmem_shared>>
    tpu.wait_indirect_dma semaphore(%arg16 : memref<!tpu.dma_semaphore, #tpu.memory_space<semaphore_mem>>) src(%dma_wait3A_78 : memref<1015808xf32, #tpu.memory_space<vmem_shared>>) dst(%arg10 : memref<4096xf32, #tpu.memory_space<vmem>>)
    %add3A_79 = arith.constant 24576 : i32
    %add3A_80 = arith.addi %mul3A_2, %add3A_79 : i32
    %dma_start3A_81 = tpu.memref_slice %arg3[%add3A_80] : memref<3276800xi32, #tpu.memory_space<hbm>> -> memref<4096xi32, #tpu.memory_space<hbm>>
    %dma_start3A_82 = tpu.memref_slice %arg3[%add3A_80] : memref<3276800xi32, #tpu.memory_space<hbm>> -> memref<4096xi32, #tpu.memory_space<hbm>>
    tpu.enqueue_dma source(%dma_start3A_82 : memref<4096xi32, #tpu.memory_space<hbm>>) target(%arg6 : memref<4096xi32, #tpu.memory_space<vmem>>) target_semaphore(%arg12 : memref<!tpu.dma_semaphore, #tpu.memory_space<semaphore_mem>>)
    %add3A_83 = arith.constant 12288 : i32
    %add3A_84 = arith.addi %mul3A_2, %add3A_83 : i32
    %dma_start3A_85 = tpu.memref_slice %arg4[%add3A_84] : memref<3276800xf32, #tpu.memory_space<hbm>> -> memref<4096xf32, #tpu.memory_space<hbm>>
    %dma_start3A_86 = tpu.memref_slice %arg4[%add3A_84] : memref<3276800xf32, #tpu.memory_space<hbm>> -> memref<4096xf32, #tpu.memory_space<hbm>>
    tpu.enqueue_dma source(%arg10 : memref<4096xf32, #tpu.memory_space<vmem>>) target(%dma_start3A_86 : memref<4096xf32, #tpu.memory_space<hbm>>) target_semaphore(%arg18 : memref<!tpu.dma_semaphore, #tpu.memory_space<semaphore_mem>>)
    %dma_wait3A_87 = tpu.memref_slice %arg3[%add3A_64] : memref<3276800xi32, #tpu.memory_space<hbm>> -> memref<4096xi32, #tpu.memory_space<hbm>>
    %dma_wait3A_88 = tpu.memref_slice %arg3[%add3A_64] : memref<3276800xi32, #tpu.memory_space<hbm>> -> memref<4096xi32, #tpu.memory_space<hbm>>
    tpu.wait_dma2 semaphore(%arg14 : memref<!tpu.dma_semaphore, #tpu.memory_space<semaphore_mem>>) src(%dma_wait3A_88 : memref<4096xi32, #tpu.memory_space<hbm>>) dst(%arg8 : memref<4096xi32, #tpu.memory_space<vmem>>)
    %dma_wait3A_89 = tpu.memref_slice %arg4[%add3A_84] : memref<3276800xf32, #tpu.memory_space<hbm>> -> memref<4096xf32, #tpu.memory_space<hbm>>
    %dma_wait3A_90 = tpu.memref_slice %arg4[%add3A_84] : memref<3276800xf32, #tpu.memory_space<hbm>> -> memref<4096xf32, #tpu.memory_space<hbm>>
    tpu.wait_dma2 semaphore(%arg18 : memref<!tpu.dma_semaphore, #tpu.memory_space<semaphore_mem>>) src(%arg10 : memref<4096xf32, #tpu.memory_space<vmem>>) dst(%dma_wait3A_90 : memref<4096xf32, #tpu.memory_space<hbm>>)
    %dma_start3A_91 = arith.constant 0 : i32
    %dma_start3A_92 = tpu.memref_slice %arg5[%dma_start3A_91] : memref<1015808xf32, #tpu.memory_space<vmem_shared>> -> memref<1015808xf32, #tpu.memory_space<vmem_shared>>
    tpu.enqueue_indirect_dma source(%dma_start3A_92 : memref<1015808xf32, #tpu.memory_space<vmem_shared>>) target(%arg10 : memref<4096xf32, #tpu.memory_space<vmem>>) offsets(%arg8 : memref<4096xi32, #tpu.memory_space<vmem>>) semaphore(%arg16 : memref<!tpu.dma_semaphore, #tpu.memory_space<semaphore_mem>>)
    %dma_wait3A_93 = arith.constant 0 : i32
    %dma_wait3A_94 = tpu.memref_slice %arg5[%dma_wait3A_93] : memref<1015808xf32, #tpu.memory_space<vmem_shared>> -> memref<1015808xf32, #tpu.memory_space<vmem_shared>>
    tpu.wait_indirect_dma semaphore(%arg15 : memref<!tpu.dma_semaphore, #tpu.memory_space<semaphore_mem>>) src(%dma_wait3A_94 : memref<1015808xf32, #tpu.memory_space<vmem_shared>>) dst(%arg9 : memref<4096xf32, #tpu.memory_space<vmem>>)
    %add3A_95 = arith.constant 28672 : i32
    %add3A_96 = arith.addi %mul3A_2, %add3A_95 : i32
    %dma_start3A_97 = tpu.memref_slice %arg3[%add3A_96] : memref<3276800xi32, #tpu.memory_space<hbm>> -> memref<4096xi32, #tpu.memory_space<hbm>>
    %dma_start3A_98 = tpu.memref_slice %arg3[%add3A_96] : memref<3276800xi32, #tpu.memory_space<hbm>> -> memref<4096xi32, #tpu.memory_space<hbm>>
    tpu.enqueue_dma source(%dma_start3A_98 : memref<4096xi32, #tpu.memory_space<hbm>>) target(%arg7 : memref<4096xi32, #tpu.memory_space<vmem>>) target_semaphore(%arg13 : memref<!tpu.dma_semaphore, #tpu.memory_space<semaphore_mem>>)
    %add3A_99 = arith.constant 16384 : i32
    %add3A_100 = arith.addi %mul3A_2, %add3A_99 : i32
    %dma_start3A_101 = tpu.memref_slice %arg4[%add3A_100] : memref<3276800xf32, #tpu.memory_space<hbm>> -> memref<4096xf32, #tpu.memory_space<hbm>>
    %dma_start3A_102 = tpu.memref_slice %arg4[%add3A_100] : memref<3276800xf32, #tpu.memory_space<hbm>> -> memref<4096xf32, #tpu.memory_space<hbm>>
    tpu.enqueue_dma source(%arg9 : memref<4096xf32, #tpu.memory_space<vmem>>) target(%dma_start3A_102 : memref<4096xf32, #tpu.memory_space<hbm>>) target_semaphore(%arg17 : memref<!tpu.dma_semaphore, #tpu.memory_space<semaphore_mem>>)
    %dma_wait3A_103 = tpu.memref_slice %arg3[%add3A_80] : memref<3276800xi32, #tpu.memory_space<hbm>> -> memref<4096xi32, #tpu.memory_space<hbm>>
    %dma_wait3A_104 = tpu.memref_slice %arg3[%add3A_80] : memref<3276800xi32, #tpu.memory_space<hbm>> -> memref<4096xi32, #tpu.memory_space<hbm>>
    tpu.wait_dma2 semaphore(%arg12 : memref<!tpu.dma_semaphore, #tpu.memory_space<semaphore_mem>>) src(%dma_wait3A_104 : memref<4096xi32, #tpu.memory_space<hbm>>) dst(%arg6 : memref<4096xi32, #tpu.memory_space<vmem>>)
    %dma_wait3A_105 = tpu.memref_slice %arg4[%add3A_100] : memref<3276800xf32, #tpu.memory_space<hbm>> -> memref<4096xf32, #tpu.memory_space<hbm>>
    %dma_wait3A_106 = tpu.memref_slice %arg4[%add3A_100] : memref<3276800xf32, #tpu.memory_space<hbm>> -> memref<4096xf32, #tpu.memory_space<hbm>>
    tpu.wait_dma2 semaphore(%arg17 : memref<!tpu.dma_semaphore, #tpu.memory_space<semaphore_mem>>) src(%arg9 : memref<4096xf32, #tpu.memory_space<vmem>>) dst(%dma_wait3A_106 : memref<4096xf32, #tpu.memory_space<hbm>>)
    %dma_start3A_107 = arith.constant 0 : i32
    %dma_start3A_108 = tpu.memref_slice %arg5[%dma_start3A_107] : memref<1015808xf32, #tpu.memory_space<vmem_shared>> -> memref<1015808xf32, #tpu.memory_space<vmem_shared>>
    tpu.enqueue_indirect_dma source(%dma_start3A_108 : memref<1015808xf32, #tpu.memory_space<vmem_shared>>) target(%arg9 : memref<4096xf32, #tpu.memory_space<vmem>>) offsets(%arg6 : memref<4096xi32, #tpu.memory_space<vmem>>) semaphore(%arg15 : memref<!tpu.dma_semaphore, #tpu.memory_space<semaphore_mem>>)
    %dma_wait3A_109 = arith.constant 0 : i32
    %dma_wait3A_110 = tpu.memref_slice %arg5[%dma_wait3A_109] : memref<1015808xf32, #tpu.memory_space<vmem_shared>> -> memref<1015808xf32, #tpu.memory_space<vmem_shared>>
    tpu.wait_indirect_dma semaphore(%arg16 : memref<!tpu.dma_semaphore, #tpu.memory_space<semaphore_mem>>) src(%dma_wait3A_110 : memref<1015808xf32, #tpu.memory_space<vmem_shared>>) dst(%arg10 : memref<4096xf32, #tpu.memory_space<vmem>>)
    %add3A_111 = arith.constant 32768 : i32
    %add3A_112 = arith.addi %mul3A_2, %add3A_111 : i32
    %dma_start3A_113 = tpu.memref_slice %arg3[%add3A_112] : memref<3276800xi32, #tpu.memory_space<hbm>> -> memref<4096xi32, #tpu.memory_space<hbm>>
    %dma_start3A_114 = tpu.memref_slice %arg3[%add3A_112] : memref<3276800xi32, #tpu.memory_space<hbm>> -> memref<4096xi32, #tpu.memory_space<hbm>>
    tpu.enqueue_dma source(%dma_start3A_114 : memref<4096xi32, #tpu.memory_space<hbm>>) target(%arg8 : memref<4096xi32, #tpu.memory_space<vmem>>) target_semaphore(%arg14 : memref<!tpu.dma_semaphore, #tpu.memory_space<semaphore_mem>>)
    %add3A_115 = arith.constant 20480 : i32
    %add3A_116 = arith.addi %mul3A_2, %add3A_115 : i32
    %dma_start3A_117 = tpu.memref_slice %arg4[%add3A_116] : memref<3276800xf32, #tpu.memory_space<hbm>> -> memref<4096xf32, #tpu.memory_space<hbm>>
    %dma_start3A_118 = tpu.memref_slice %arg4[%add3A_116] : memref<3276800xf32, #tpu.memory_space<hbm>> -> memref<4096xf32, #tpu.memory_space<hbm>>
    tpu.enqueue_dma source(%arg10 : memref<4096xf32, #tpu.memory_space<vmem>>) target(%dma_start3A_118 : memref<4096xf32, #tpu.memory_space<hbm>>) target_semaphore(%arg18 : memref<!tpu.dma_semaphore, #tpu.memory_space<semaphore_mem>>)
    %dma_wait3A_119 = tpu.memref_slice %arg3[%add3A_96] : memref<3276800xi32, #tpu.memory_space<hbm>> -> memref<4096xi32, #tpu.memory_space<hbm>>
    %dma_wait3A_120 = tpu.memref_slice %arg3[%add3A_96] : memref<3276800xi32, #tpu.memory_space<hbm>> -> memref<4096xi32, #tpu.memory_space<hbm>>
    tpu.wait_dma2 semaphore(%arg13 : memref<!tpu.dma_semaphore, #tpu.memory_space<semaphore_mem>>) src(%dma_wait3A_120 : memref<4096xi32, #tpu.memory_space<hbm>>) dst(%arg7 : memref<4096xi32, #tpu.memory_space<vmem>>)
    %dma_wait3A_121 = tpu.memref_slice %arg4[%add3A_116] : memref<3276800xf32, #tpu.memory_space<hbm>> -> memref<4096xf32, #tpu.memory_space<hbm>>
    %dma_wait3A_122 = tpu.memref_slice %arg4[%add3A_116] : memref<3276800xf32, #tpu.memory_space<hbm>> -> memref<4096xf32, #tpu.memory_space<hbm>>
    tpu.wait_dma2 semaphore(%arg18 : memref<!tpu.dma_semaphore, #tpu.memory_space<semaphore_mem>>) src(%arg10 : memref<4096xf32, #tpu.memory_space<vmem>>) dst(%dma_wait3A_122 : memref<4096xf32, #tpu.memory_space<hbm>>)
    %dma_start3A_123 = arith.constant 0 : i32
    %dma_start3A_124 = tpu.memref_slice %arg5[%dma_start3A_123] : memref<1015808xf32, #tpu.memory_space<vmem_shared>> -> memref<1015808xf32, #tpu.memory_space<vmem_shared>>
    tpu.enqueue_indirect_dma source(%dma_start3A_124 : memref<1015808xf32, #tpu.memory_space<vmem_shared>>) target(%arg10 : memref<4096xf32, #tpu.memory_space<vmem>>) offsets(%arg7 : memref<4096xi32, #tpu.memory_space<vmem>>) semaphore(%arg16 : memref<!tpu.dma_semaphore, #tpu.memory_space<semaphore_mem>>)
    %dma_wait3A_125 = arith.constant 0 : i32
    %dma_wait3A_126 = tpu.memref_slice %arg5[%dma_wait3A_125] : memref<1015808xf32, #tpu.memory_space<vmem_shared>> -> memref<1015808xf32, #tpu.memory_space<vmem_shared>>
    tpu.wait_indirect_dma semaphore(%arg15 : memref<!tpu.dma_semaphore, #tpu.memory_space<semaphore_mem>>) src(%dma_wait3A_126 : memref<1015808xf32, #tpu.memory_space<vmem_shared>>) dst(%arg9 : memref<4096xf32, #tpu.memory_space<vmem>>)
    %add3A_127 = arith.constant 36864 : i32
    %add3A_128 = arith.addi %mul3A_2, %add3A_127 : i32
    %dma_start3A_129 = tpu.memref_slice %arg3[%add3A_128] : memref<3276800xi32, #tpu.memory_space<hbm>> -> memref<4096xi32, #tpu.memory_space<hbm>>
    %dma_start3A_130 = tpu.memref_slice %arg3[%add3A_128] : memref<3276800xi32, #tpu.memory_space<hbm>> -> memref<4096xi32, #tpu.memory_space<hbm>>
    tpu.enqueue_dma source(%dma_start3A_130 : memref<4096xi32, #tpu.memory_space<hbm>>) target(%arg6 : memref<4096xi32, #tpu.memory_space<vmem>>) target_semaphore(%arg12 : memref<!tpu.dma_semaphore, #tpu.memory_space<semaphore_mem>>)
    %add3A_131 = arith.constant 24576 : i32
    %add3A_132 = arith.addi %mul3A_2, %add3A_131 : i32
    %dma_start3A_133 = tpu.memref_slice %arg4[%add3A_132] : memref<3276800xf32, #tpu.memory_space<hbm>> -> memref<4096xf32, #tpu.memory_space<hbm>>
    %dma_start3A_134 = tpu.memref_slice %arg4[%add3A_132] : memref<3276800xf32, #tpu.memory_space<hbm>> -> memref<4096xf32, #tpu.memory_space<hbm>>
    tpu.enqueue_dma source(%arg9 : memref<4096xf32, #tpu.memory_space<vmem>>) target(%dma_start3A_134 : memref<4096xf32, #tpu.memory_space<hbm>>) target_semaphore(%arg17 : memref<!tpu.dma_semaphore, #tpu.memory_space<semaphore_mem>>)
    %dma_wait3A_135 = tpu.memref_slice %arg3[%add3A_112] : memref<3276800xi32, #tpu.memory_space<hbm>> -> memref<4096xi32, #tpu.memory_space<hbm>>
    %dma_wait3A_136 = tpu.memref_slice %arg3[%add3A_112] : memref<3276800xi32, #tpu.memory_space<hbm>> -> memref<4096xi32, #tpu.memory_space<hbm>>
    tpu.wait_dma2 semaphore(%arg14 : memref<!tpu.dma_semaphore, #tpu.memory_space<semaphore_mem>>) src(%dma_wait3A_136 : memref<4096xi32, #tpu.memory_space<hbm>>) dst(%arg8 : memref<4096xi32, #tpu.memory_space<vmem>>)
    %dma_wait3A_137 = tpu.memref_slice %arg4[%add3A_132] : memref<3276800xf32, #tpu.memory_space<hbm>> -> memref<4096xf32, #tpu.memory_space<hbm>>
    %dma_wait3A_138 = tpu.memref_slice %arg4[%add3A_132] : memref<3276800xf32, #tpu.memory_space<hbm>> -> memref<4096xf32, #tpu.memory_space<hbm>>
    tpu.wait_dma2 semaphore(%arg17 : memref<!tpu.dma_semaphore, #tpu.memory_space<semaphore_mem>>) src(%arg9 : memref<4096xf32, #tpu.memory_space<vmem>>) dst(%dma_wait3A_138 : memref<4096xf32, #tpu.memory_space<hbm>>)
    %dma_start3A_139 = arith.constant 0 : i32
    %dma_start3A_140 = tpu.memref_slice %arg5[%dma_start3A_139] : memref<1015808xf32, #tpu.memory_space<vmem_shared>> -> memref<1015808xf32, #tpu.memory_space<vmem_shared>>
    tpu.enqueue_indirect_dma source(%dma_start3A_140 : memref<1015808xf32, #tpu.memory_space<vmem_shared>>) target(%arg9 : memref<4096xf32, #tpu.memory_space<vmem>>) offsets(%arg8 : memref<4096xi32, #tpu.memory_space<vmem>>) semaphore(%arg15 : memref<!tpu.dma_semaphore, #tpu.memory_space<semaphore_mem>>)
    %dma_wait3A_141 = arith.constant 0 : i32
    %dma_wait3A_142 = tpu.memref_slice %arg5[%dma_wait3A_141] : memref<1015808xf32, #tpu.memory_space<vmem_shared>> -> memref<1015808xf32, #tpu.memory_space<vmem_shared>>
    tpu.wait_indirect_dma semaphore(%arg16 : memref<!tpu.dma_semaphore, #tpu.memory_space<semaphore_mem>>) src(%dma_wait3A_142 : memref<1015808xf32, #tpu.memory_space<vmem_shared>>) dst(%arg10 : memref<4096xf32, #tpu.memory_space<vmem>>)
    %add3A_143 = arith.constant 40960 : i32
    %add3A_144 = arith.addi %mul3A_2, %add3A_143 : i32
    %dma_start3A_145 = tpu.memref_slice %arg3[%add3A_144] : memref<3276800xi32, #tpu.memory_space<hbm>> -> memref<4096xi32, #tpu.memory_space<hbm>>
    %dma_start3A_146 = tpu.memref_slice %arg3[%add3A_144] : memref<3276800xi32, #tpu.memory_space<hbm>> -> memref<4096xi32, #tpu.memory_space<hbm>>
    tpu.enqueue_dma source(%dma_start3A_146 : memref<4096xi32, #tpu.memory_space<hbm>>) target(%arg7 : memref<4096xi32, #tpu.memory_space<vmem>>) target_semaphore(%arg13 : memref<!tpu.dma_semaphore, #tpu.memory_space<semaphore_mem>>)
    %add3A_147 = arith.constant 28672 : i32
    %add3A_148 = arith.addi %mul3A_2, %add3A_147 : i32
    %dma_start3A_149 = tpu.memref_slice %arg4[%add3A_148] : memref<3276800xf32, #tpu.memory_space<hbm>> -> memref<4096xf32, #tpu.memory_space<hbm>>
    %dma_start3A_150 = tpu.memref_slice %arg4[%add3A_148] : memref<3276800xf32, #tpu.memory_space<hbm>> -> memref<4096xf32, #tpu.memory_space<hbm>>
    tpu.enqueue_dma source(%arg10 : memref<4096xf32, #tpu.memory_space<vmem>>) target(%dma_start3A_150 : memref<4096xf32, #tpu.memory_space<hbm>>) target_semaphore(%arg18 : memref<!tpu.dma_semaphore, #tpu.memory_space<semaphore_mem>>)
    %dma_wait3A_151 = tpu.memref_slice %arg3[%add3A_128] : memref<3276800xi32, #tpu.memory_space<hbm>> -> memref<4096xi32, #tpu.memory_space<hbm>>
    %dma_wait3A_152 = tpu.memref_slice %arg3[%add3A_128] : memref<3276800xi32, #tpu.memory_space<hbm>> -> memref<4096xi32, #tpu.memory_space<hbm>>
    tpu.wait_dma2 semaphore(%arg12 : memref<!tpu.dma_semaphore, #tpu.memory_space<semaphore_mem>>) src(%dma_wait3A_152 : memref<4096xi32, #tpu.memory_space<hbm>>) dst(%arg6 : memref<4096xi32, #tpu.memory_space<vmem>>)
    %dma_wait3A_153 = tpu.memref_slice %arg4[%add3A_148] : memref<3276800xf32, #tpu.memory_space<hbm>> -> memref<4096xf32, #tpu.memory_space<hbm>>
    %dma_wait3A_154 = tpu.memref_slice %arg4[%add3A_148] : memref<3276800xf32, #tpu.memory_space<hbm>> -> memref<4096xf32, #tpu.memory_space<hbm>>
    tpu.wait_dma2 semaphore(%arg18 : memref<!tpu.dma_semaphore, #tpu.memory_space<semaphore_mem>>) src(%arg10 : memref<4096xf32, #tpu.memory_space<vmem>>) dst(%dma_wait3A_154 : memref<4096xf32, #tpu.memory_space<hbm>>)
    %dma_start3A_155 = arith.constant 0 : i32
    %dma_start3A_156 = tpu.memref_slice %arg5[%dma_start3A_155] : memref<1015808xf32, #tpu.memory_space<vmem_shared>> -> memref<1015808xf32, #tpu.memory_space<vmem_shared>>
    tpu.enqueue_indirect_dma source(%dma_start3A_156 : memref<1015808xf32, #tpu.memory_space<vmem_shared>>) target(%arg10 : memref<4096xf32, #tpu.memory_space<vmem>>) offsets(%arg6 : memref<4096xi32, #tpu.memory_space<vmem>>) semaphore(%arg16 : memref<!tpu.dma_semaphore, #tpu.memory_space<semaphore_mem>>)
    %dma_wait3A_157 = arith.constant 0 : i32
    %dma_wait3A_158 = tpu.memref_slice %arg5[%dma_wait3A_157] : memref<1015808xf32, #tpu.memory_space<vmem_shared>> -> memref<1015808xf32, #tpu.memory_space<vmem_shared>>
    tpu.wait_indirect_dma semaphore(%arg15 : memref<!tpu.dma_semaphore, #tpu.memory_space<semaphore_mem>>) src(%dma_wait3A_158 : memref<1015808xf32, #tpu.memory_space<vmem_shared>>) dst(%arg9 : memref<4096xf32, #tpu.memory_space<vmem>>)
    %add3A_159 = arith.constant 45056 : i32
    %add3A_160 = arith.addi %mul3A_2, %add3A_159 : i32
    %dma_start3A_161 = tpu.memref_slice %arg3[%add3A_160] : memref<3276800xi32, #tpu.memory_space<hbm>> -> memref<4096xi32, #tpu.memory_space<hbm>>
    %dma_start3A_162 = tpu.memref_slice %arg3[%add3A_160] : memref<3276800xi32, #tpu.memory_space<hbm>> -> memref<4096xi32, #tpu.memory_space<hbm>>
    tpu.enqueue_dma source(%dma_start3A_162 : memref<4096xi32, #tpu.memory_space<hbm>>) target(%arg8 : memref<4096xi32, #tpu.memory_space<vmem>>) target_semaphore(%arg14 : memref<!tpu.dma_semaphore, #tpu.memory_space<semaphore_mem>>)
    %add3A_163 = arith.constant 32768 : i32
    %add3A_164 = arith.addi %mul3A_2, %add3A_163 : i32
    %dma_start3A_165 = tpu.memref_slice %arg4[%add3A_164] : memref<3276800xf32, #tpu.memory_space<hbm>> -> memref<4096xf32, #tpu.memory_space<hbm>>
    %dma_start3A_166 = tpu.memref_slice %arg4[%add3A_164] : memref<3276800xf32, #tpu.memory_space<hbm>> -> memref<4096xf32, #tpu.memory_space<hbm>>
    tpu.enqueue_dma source(%arg9 : memref<4096xf32, #tpu.memory_space<vmem>>) target(%dma_start3A_166 : memref<4096xf32, #tpu.memory_space<hbm>>) target_semaphore(%arg17 : memref<!tpu.dma_semaphore, #tpu.memory_space<semaphore_mem>>)
    %dma_wait3A_167 = tpu.memref_slice %arg3[%add3A_144] : memref<3276800xi32, #tpu.memory_space<hbm>> -> memref<4096xi32, #tpu.memory_space<hbm>>
    %dma_wait3A_168 = tpu.memref_slice %arg3[%add3A_144] : memref<3276800xi32, #tpu.memory_space<hbm>> -> memref<4096xi32, #tpu.memory_space<hbm>>
    tpu.wait_dma2 semaphore(%arg13 : memref<!tpu.dma_semaphore, #tpu.memory_space<semaphore_mem>>) src(%dma_wait3A_168 : memref<4096xi32, #tpu.memory_space<hbm>>) dst(%arg7 : memref<4096xi32, #tpu.memory_space<vmem>>)
    %dma_wait3A_169 = tpu.memref_slice %arg4[%add3A_164] : memref<3276800xf32, #tpu.memory_space<hbm>> -> memref<4096xf32, #tpu.memory_space<hbm>>
    %dma_wait3A_170 = tpu.memref_slice %arg4[%add3A_164] : memref<3276800xf32, #tpu.memory_space<hbm>> -> memref<4096xf32, #tpu.memory_space<hbm>>
    tpu.wait_dma2 semaphore(%arg17 : memref<!tpu.dma_semaphore, #tpu.memory_space<semaphore_mem>>) src(%arg9 : memref<4096xf32, #tpu.memory_space<vmem>>) dst(%dma_wait3A_170 : memref<4096xf32, #tpu.memory_space<hbm>>)
    %dma_start3A_171 = arith.constant 0 : i32
    %dma_start3A_172 = tpu.memref_slice %arg5[%dma_start3A_171] : memref<1015808xf32, #tpu.memory_space<vmem_shared>> -> memref<1015808xf32, #tpu.memory_space<vmem_shared>>
    tpu.enqueue_indirect_dma source(%dma_start3A_172 : memref<1015808xf32, #tpu.memory_space<vmem_shared>>) target(%arg9 : memref<4096xf32, #tpu.memory_space<vmem>>) offsets(%arg7 : memref<4096xi32, #tpu.memory_space<vmem>>) semaphore(%arg15 : memref<!tpu.dma_semaphore, #tpu.memory_space<semaphore_mem>>)
    %dma_wait3A_173 = arith.constant 0 : i32
    %dma_wait3A_174 = tpu.memref_slice %arg5[%dma_wait3A_173] : memref<1015808xf32, #tpu.memory_space<vmem_shared>> -> memref<1015808xf32, #tpu.memory_space<vmem_shared>>
    tpu.wait_indirect_dma semaphore(%arg16 : memref<!tpu.dma_semaphore, #tpu.memory_space<semaphore_mem>>) src(%dma_wait3A_174 : memref<1015808xf32, #tpu.memory_space<vmem_shared>>) dst(%arg10 : memref<4096xf32, #tpu.memory_space<vmem>>)
    %add3A_175 = arith.constant 49152 : i32
    %add3A_176 = arith.addi %mul3A_2, %add3A_175 : i32
    %dma_start3A_177 = tpu.memref_slice %arg3[%add3A_176] : memref<3276800xi32, #tpu.memory_space<hbm>> -> memref<4096xi32, #tpu.memory_space<hbm>>
    %dma_start3A_178 = tpu.memref_slice %arg3[%add3A_176] : memref<3276800xi32, #tpu.memory_space<hbm>> -> memref<4096xi32, #tpu.memory_space<hbm>>
    tpu.enqueue_dma source(%dma_start3A_178 : memref<4096xi32, #tpu.memory_space<hbm>>) target(%arg6 : memref<4096xi32, #tpu.memory_space<vmem>>) target_semaphore(%arg12 : memref<!tpu.dma_semaphore, #tpu.memory_space<semaphore_mem>>)
    %add3A_179 = arith.constant 36864 : i32
    %add3A_180 = arith.addi %mul3A_2, %add3A_179 : i32
    %dma_start3A_181 = tpu.memref_slice %arg4[%add3A_180] : memref<3276800xf32, #tpu.memory_space<hbm>> -> memref<4096xf32, #tpu.memory_space<hbm>>
    %dma_start3A_182 = tpu.memref_slice %arg4[%add3A_180] : memref<3276800xf32, #tpu.memory_space<hbm>> -> memref<4096xf32, #tpu.memory_space<hbm>>
    tpu.enqueue_dma source(%arg10 : memref<4096xf32, #tpu.memory_space<vmem>>) target(%dma_start3A_182 : memref<4096xf32, #tpu.memory_space<hbm>>) target_semaphore(%arg18 : memref<!tpu.dma_semaphore, #tpu.memory_space<semaphore_mem>>)
    %dma_wait3A_183 = tpu.memref_slice %arg3[%add3A_160] : memref<3276800xi32, #tpu.memory_space<hbm>> -> memref<4096xi32, #tpu.memory_space<hbm>>
    %dma_wait3A_184 = tpu.memref_slice %arg3[%add3A_160] : memref<3276800xi32, #tpu.memory_space<hbm>> -> memref<4096xi32, #tpu.memory_space<hbm>>
    tpu.wait_dma2 semaphore(%arg14 : memref<!tpu.dma_semaphore, #tpu.memory_space<semaphore_mem>>) src(%dma_wait3A_184 : memref<4096xi32, #tpu.memory_space<hbm>>) dst(%arg8 : memref<4096xi32, #tpu.memory_space<vmem>>)
    %dma_wait3A_185 = tpu.memref_slice %arg4[%add3A_180] : memref<3276800xf32, #tpu.memory_space<hbm>> -> memref<4096xf32, #tpu.memory_space<hbm>>
    %dma_wait3A_186 = tpu.memref_slice %arg4[%add3A_180] : memref<3276800xf32, #tpu.memory_space<hbm>> -> memref<4096xf32, #tpu.memory_space<hbm>>
    tpu.wait_dma2 semaphore(%arg18 : memref<!tpu.dma_semaphore, #tpu.memory_space<semaphore_mem>>) src(%arg10 : memref<4096xf32, #tpu.memory_space<vmem>>) dst(%dma_wait3A_186 : memref<4096xf32, #tpu.memory_space<hbm>>)
    %dma_start3A_187 = arith.constant 0 : i32
    %dma_start3A_188 = tpu.memref_slice %arg5[%dma_start3A_187] : memref<1015808xf32, #tpu.memory_space<vmem_shared>> -> memref<1015808xf32, #tpu.memory_space<vmem_shared>>
    tpu.enqueue_indirect_dma source(%dma_start3A_188 : memref<1015808xf32, #tpu.memory_space<vmem_shared>>) target(%arg10 : memref<4096xf32, #tpu.memory_space<vmem>>) offsets(%arg8 : memref<4096xi32, #tpu.memory_space<vmem>>) semaphore(%arg16 : memref<!tpu.dma_semaphore, #tpu.memory_space<semaphore_mem>>)
    %dma_wait3A_189 = arith.constant 0 : i32
    %dma_wait3A_190 = tpu.memref_slice %arg5[%dma_wait3A_189] : memref<1015808xf32, #tpu.memory_space<vmem_shared>> -> memref<1015808xf32, #tpu.memory_space<vmem_shared>>
    tpu.wait_indirect_dma semaphore(%arg15 : memref<!tpu.dma_semaphore, #tpu.memory_space<semaphore_mem>>) src(%dma_wait3A_190 : memref<1015808xf32, #tpu.memory_space<vmem_shared>>) dst(%arg9 : memref<4096xf32, #tpu.memory_space<vmem>>)
    %add3A_191 = arith.constant 53248 : i32
    %add3A_192 = arith.addi %mul3A_2, %add3A_191 : i32
    %dma_start3A_193 = tpu.memref_slice %arg3[%add3A_192] : memref<3276800xi32, #tpu.memory_space<hbm>> -> memref<4096xi32, #tpu.memory_space<hbm>>
    %dma_start3A_194 = tpu.memref_slice %arg3[%add3A_192] : memref<3276800xi32, #tpu.memory_space<hbm>> -> memref<4096xi32, #tpu.memory_space<hbm>>
    tpu.enqueue_dma source(%dma_start3A_194 : memref<4096xi32, #tpu.memory_space<hbm>>) target(%arg7 : memref<4096xi32, #tpu.memory_space<vmem>>) target_semaphore(%arg13 : memref<!tpu.dma_semaphore, #tpu.memory_space<semaphore_mem>>)
    %add3A_195 = arith.constant 40960 : i32
    %add3A_196 = arith.addi %mul3A_2, %add3A_195 : i32
    %dma_start3A_197 = tpu.memref_slice %arg4[%add3A_196] : memref<3276800xf32, #tpu.memory_space<hbm>> -> memref<4096xf32, #tpu.memory_space<hbm>>
    %dma_start3A_198 = tpu.memref_slice %arg4[%add3A_196] : memref<3276800xf32, #tpu.memory_space<hbm>> -> memref<4096xf32, #tpu.memory_space<hbm>>
    tpu.enqueue_dma source(%arg9 : memref<4096xf32, #tpu.memory_space<vmem>>) target(%dma_start3A_198 : memref<4096xf32, #tpu.memory_space<hbm>>) target_semaphore(%arg17 : memref<!tpu.dma_semaphore, #tpu.memory_space<semaphore_mem>>)
    %dma_wait3A_199 = tpu.memref_slice %arg3[%add3A_176] : memref<3276800xi32, #tpu.memory_space<hbm>> -> memref<4096xi32, #tpu.memory_space<hbm>>
    %dma_wait3A_200 = tpu.memref_slice %arg3[%add3A_176] : memref<3276800xi32, #tpu.memory_space<hbm>> -> memref<4096xi32, #tpu.memory_space<hbm>>
    tpu.wait_dma2 semaphore(%arg12 : memref<!tpu.dma_semaphore, #tpu.memory_space<semaphore_mem>>) src(%dma_wait3A_200 : memref<4096xi32, #tpu.memory_space<hbm>>) dst(%arg6 : memref<4096xi32, #tpu.memory_space<vmem>>)
    %dma_wait3A_201 = tpu.memref_slice %arg4[%add3A_196] : memref<3276800xf32, #tpu.memory_space<hbm>> -> memref<4096xf32, #tpu.memory_space<hbm>>
    %dma_wait3A_202 = tpu.memref_slice %arg4[%add3A_196] : memref<3276800xf32, #tpu.memory_space<hbm>> -> memref<4096xf32, #tpu.memory_space<hbm>>
    tpu.wait_dma2 semaphore(%arg17 : memref<!tpu.dma_semaphore, #tpu.memory_space<semaphore_mem>>) src(%arg9 : memref<4096xf32, #tpu.memory_space<vmem>>) dst(%dma_wait3A_202 : memref<4096xf32, #tpu.memory_space<hbm>>)
    %dma_start3A_203 = arith.constant 0 : i32
    %dma_start3A_204 = tpu.memref_slice %arg5[%dma_start3A_203] : memref<1015808xf32, #tpu.memory_space<vmem_shared>> -> memref<1015808xf32, #tpu.memory_space<vmem_shared>>
    tpu.enqueue_indirect_dma source(%dma_start3A_204 : memref<1015808xf32, #tpu.memory_space<vmem_shared>>) target(%arg9 : memref<4096xf32, #tpu.memory_space<vmem>>) offsets(%arg6 : memref<4096xi32, #tpu.memory_space<vmem>>) semaphore(%arg15 : memref<!tpu.dma_semaphore, #tpu.memory_space<semaphore_mem>>)
    %dma_wait3A_205 = arith.constant 0 : i32
    %dma_wait3A_206 = tpu.memref_slice %arg5[%dma_wait3A_205] : memref<1015808xf32, #tpu.memory_space<vmem_shared>> -> memref<1015808xf32, #tpu.memory_space<vmem_shared>>
    tpu.wait_indirect_dma semaphore(%arg16 : memref<!tpu.dma_semaphore, #tpu.memory_space<semaphore_mem>>) src(%dma_wait3A_206 : memref<1015808xf32, #tpu.memory_space<vmem_shared>>) dst(%arg10 : memref<4096xf32, #tpu.memory_space<vmem>>)
    %add3A_207 = arith.constant 57344 : i32
    %add3A_208 = arith.addi %mul3A_2, %add3A_207 : i32
    %dma_start3A_209 = tpu.memref_slice %arg3[%add3A_208] : memref<3276800xi32, #tpu.memory_space<hbm>> -> memref<4096xi32, #tpu.memory_space<hbm>>
    %dma_start3A_210 = tpu.memref_slice %arg3[%add3A_208] : memref<3276800xi32, #tpu.memory_space<hbm>> -> memref<4096xi32, #tpu.memory_space<hbm>>
    tpu.enqueue_dma source(%dma_start3A_210 : memref<4096xi32, #tpu.memory_space<hbm>>) target(%arg8 : memref<4096xi32, #tpu.memory_space<vmem>>) target_semaphore(%arg14 : memref<!tpu.dma_semaphore, #tpu.memory_space<semaphore_mem>>)
    %add3A_211 = arith.constant 45056 : i32
    %add3A_212 = arith.addi %mul3A_2, %add3A_211 : i32
    %dma_start3A_213 = tpu.memref_slice %arg4[%add3A_212] : memref<3276800xf32, #tpu.memory_space<hbm>> -> memref<4096xf32, #tpu.memory_space<hbm>>
    %dma_start3A_214 = tpu.memref_slice %arg4[%add3A_212] : memref<3276800xf32, #tpu.memory_space<hbm>> -> memref<4096xf32, #tpu.memory_space<hbm>>
    tpu.enqueue_dma source(%arg10 : memref<4096xf32, #tpu.memory_space<vmem>>) target(%dma_start3A_214 : memref<4096xf32, #tpu.memory_space<hbm>>) target_semaphore(%arg18 : memref<!tpu.dma_semaphore, #tpu.memory_space<semaphore_mem>>)
    %dma_wait3A_215 = tpu.memref_slice %arg3[%add3A_192] : memref<3276800xi32, #tpu.memory_space<hbm>> -> memref<4096xi32, #tpu.memory_space<hbm>>
    %dma_wait3A_216 = tpu.memref_slice %arg3[%add3A_192] : memref<3276800xi32, #tpu.memory_space<hbm>> -> memref<4096xi32, #tpu.memory_space<hbm>>
    tpu.wait_dma2 semaphore(%arg13 : memref<!tpu.dma_semaphore, #tpu.memory_space<semaphore_mem>>) src(%dma_wait3A_216 : memref<4096xi32, #tpu.memory_space<hbm>>) dst(%arg7 : memref<4096xi32, #tpu.memory_space<vmem>>)
    %dma_wait3A_217 = tpu.memref_slice %arg4[%add3A_212] : memref<3276800xf32, #tpu.memory_space<hbm>> -> memref<4096xf32, #tpu.memory_space<hbm>>
    %dma_wait3A_218 = tpu.memref_slice %arg4[%add3A_212] : memref<3276800xf32, #tpu.memory_space<hbm>> -> memref<4096xf32, #tpu.memory_space<hbm>>
    tpu.wait_dma2 semaphore(%arg18 : memref<!tpu.dma_semaphore, #tpu.memory_space<semaphore_mem>>) src(%arg10 : memref<4096xf32, #tpu.memory_space<vmem>>) dst(%dma_wait3A_218 : memref<4096xf32, #tpu.memory_space<hbm>>)
    %dma_start3A_219 = arith.constant 0 : i32
    %dma_start3A_220 = tpu.memref_slice %arg5[%dma_start3A_219] : memref<1015808xf32, #tpu.memory_space<vmem_shared>> -> memref<1015808xf32, #tpu.memory_space<vmem_shared>>
    tpu.enqueue_indirect_dma source(%dma_start3A_220 : memref<1015808xf32, #tpu.memory_space<vmem_shared>>) target(%arg10 : memref<4096xf32, #tpu.memory_space<vmem>>) offsets(%arg7 : memref<4096xi32, #tpu.memory_space<vmem>>) semaphore(%arg16 : memref<!tpu.dma_semaphore, #tpu.memory_space<semaphore_mem>>)
    %dma_wait3A_221 = arith.constant 0 : i32
    %dma_wait3A_222 = tpu.memref_slice %arg5[%dma_wait3A_221] : memref<1015808xf32, #tpu.memory_space<vmem_shared>> -> memref<1015808xf32, #tpu.memory_space<vmem_shared>>
    tpu.wait_indirect_dma semaphore(%arg15 : memref<!tpu.dma_semaphore, #tpu.memory_space<semaphore_mem>>) src(%dma_wait3A_222 : memref<1015808xf32, #tpu.memory_space<vmem_shared>>) dst(%arg9 : memref<4096xf32, #tpu.memory_space<vmem>>)
    %add3A_223 = arith.constant 61440 : i32
    %add3A_224 = arith.addi %mul3A_2, %add3A_223 : i32
    %dma_start3A_225 = tpu.memref_slice %arg3[%add3A_224] : memref<3276800xi32, #tpu.memory_space<hbm>> -> memref<4096xi32, #tpu.memory_space<hbm>>
    %dma_start3A_226 = tpu.memref_slice %arg3[%add3A_224] : memref<3276800xi32, #tpu.memory_space<hbm>> -> memref<4096xi32, #tpu.memory_space<hbm>>
    tpu.enqueue_dma source(%dma_start3A_226 : memref<4096xi32, #tpu.memory_space<hbm>>) target(%arg6 : memref<4096xi32, #tpu.memory_space<vmem>>) target_semaphore(%arg12 : memref<!tpu.dma_semaphore, #tpu.memory_space<semaphore_mem>>)
    %add3A_227 = arith.constant 49152 : i32
    %add3A_228 = arith.addi %mul3A_2, %add3A_227 : i32
    %dma_start3A_229 = tpu.memref_slice %arg4[%add3A_228] : memref<3276800xf32, #tpu.memory_space<hbm>> -> memref<4096xf32, #tpu.memory_space<hbm>>
    %dma_start3A_230 = tpu.memref_slice %arg4[%add3A_228] : memref<3276800xf32, #tpu.memory_space<hbm>> -> memref<4096xf32, #tpu.memory_space<hbm>>
    tpu.enqueue_dma source(%arg9 : memref<4096xf32, #tpu.memory_space<vmem>>) target(%dma_start3A_230 : memref<4096xf32, #tpu.memory_space<hbm>>) target_semaphore(%arg17 : memref<!tpu.dma_semaphore, #tpu.memory_space<semaphore_mem>>)
    %dma_wait3A_231 = tpu.memref_slice %arg3[%add3A_208] : memref<3276800xi32, #tpu.memory_space<hbm>> -> memref<4096xi32, #tpu.memory_space<hbm>>
    %dma_wait3A_232 = tpu.memref_slice %arg3[%add3A_208] : memref<3276800xi32, #tpu.memory_space<hbm>> -> memref<4096xi32, #tpu.memory_space<hbm>>
    tpu.wait_dma2 semaphore(%arg14 : memref<!tpu.dma_semaphore, #tpu.memory_space<semaphore_mem>>) src(%dma_wait3A_232 : memref<4096xi32, #tpu.memory_space<hbm>>) dst(%arg8 : memref<4096xi32, #tpu.memory_space<vmem>>)
    %dma_wait3A_233 = tpu.memref_slice %arg4[%add3A_228] : memref<3276800xf32, #tpu.memory_space<hbm>> -> memref<4096xf32, #tpu.memory_space<hbm>>
    %dma_wait3A_234 = tpu.memref_slice %arg4[%add3A_228] : memref<3276800xf32, #tpu.memory_space<hbm>> -> memref<4096xf32, #tpu.memory_space<hbm>>
    tpu.wait_dma2 semaphore(%arg17 : memref<!tpu.dma_semaphore, #tpu.memory_space<semaphore_mem>>) src(%arg9 : memref<4096xf32, #tpu.memory_space<vmem>>) dst(%dma_wait3A_234 : memref<4096xf32, #tpu.memory_space<hbm>>)
    %dma_start3A_235 = arith.constant 0 : i32
    %dma_start3A_236 = tpu.memref_slice %arg5[%dma_start3A_235] : memref<1015808xf32, #tpu.memory_space<vmem_shared>> -> memref<1015808xf32, #tpu.memory_space<vmem_shared>>
    tpu.enqueue_indirect_dma source(%dma_start3A_236 : memref<1015808xf32, #tpu.memory_space<vmem_shared>>) target(%arg9 : memref<4096xf32, #tpu.memory_space<vmem>>) offsets(%arg8 : memref<4096xi32, #tpu.memory_space<vmem>>) semaphore(%arg15 : memref<!tpu.dma_semaphore, #tpu.memory_space<semaphore_mem>>)
    %dma_wait3A_237 = arith.constant 0 : i32
    %dma_wait3A_238 = tpu.memref_slice %arg5[%dma_wait3A_237] : memref<1015808xf32, #tpu.memory_space<vmem_shared>> -> memref<1015808xf32, #tpu.memory_space<vmem_shared>>
    tpu.wait_indirect_dma semaphore(%arg16 : memref<!tpu.dma_semaphore, #tpu.memory_space<semaphore_mem>>) src(%dma_wait3A_238 : memref<1015808xf32, #tpu.memory_space<vmem_shared>>) dst(%arg10 : memref<4096xf32, #tpu.memory_space<vmem>>)
    %add3A_239 = arith.constant 65536 : i32
    %add3A_240 = arith.addi %mul3A_2, %add3A_239 : i32
    %dma_start3A_241 = tpu.memref_slice %arg3[%add3A_240] : memref<3276800xi32, #tpu.memory_space<hbm>> -> memref<4096xi32, #tpu.memory_space<hbm>>
    %dma_start3A_242 = tpu.memref_slice %arg3[%add3A_240] : memref<3276800xi32, #tpu.memory_space<hbm>> -> memref<4096xi32, #tpu.memory_space<hbm>>
    tpu.enqueue_dma source(%dma_start3A_242 : memref<4096xi32, #tpu.memory_space<hbm>>) target(%arg7 : memref<4096xi32, #tpu.memory_space<vmem>>) target_semaphore(%arg13 : memref<!tpu.dma_semaphore, #tpu.memory_space<semaphore_mem>>)
    %add3A_243 = arith.constant 53248 : i32
    %add3A_244 = arith.addi %mul3A_2, %add3A_243 : i32
    %dma_start3A_245 = tpu.memref_slice %arg4[%add3A_244] : memref<3276800xf32, #tpu.memory_space<hbm>> -> memref<4096xf32, #tpu.memory_space<hbm>>
    %dma_start3A_246 = tpu.memref_slice %arg4[%add3A_244] : memref<3276800xf32, #tpu.memory_space<hbm>> -> memref<4096xf32, #tpu.memory_space<hbm>>
    tpu.enqueue_dma source(%arg10 : memref<4096xf32, #tpu.memory_space<vmem>>) target(%dma_start3A_246 : memref<4096xf32, #tpu.memory_space<hbm>>) target_semaphore(%arg18 : memref<!tpu.dma_semaphore, #tpu.memory_space<semaphore_mem>>)
    %dma_wait3A_247 = tpu.memref_slice %arg3[%add3A_224] : memref<3276800xi32, #tpu.memory_space<hbm>> -> memref<4096xi32, #tpu.memory_space<hbm>>
    %dma_wait3A_248 = tpu.memref_slice %arg3[%add3A_224] : memref<3276800xi32, #tpu.memory_space<hbm>> -> memref<4096xi32, #tpu.memory_space<hbm>>
    tpu.wait_dma2 semaphore(%arg12 : memref<!tpu.dma_semaphore, #tpu.memory_space<semaphore_mem>>) src(%dma_wait3A_248 : memref<4096xi32, #tpu.memory_space<hbm>>) dst(%arg6 : memref<4096xi32, #tpu.memory_space<vmem>>)
    %dma_wait3A_249 = tpu.memref_slice %arg4[%add3A_244] : memref<3276800xf32, #tpu.memory_space<hbm>> -> memref<4096xf32, #tpu.memory_space<hbm>>
    %dma_wait3A_250 = tpu.memref_slice %arg4[%add3A_244] : memref<3276800xf32, #tpu.memory_space<hbm>> -> memref<4096xf32, #tpu.memory_space<hbm>>
    tpu.wait_dma2 semaphore(%arg18 : memref<!tpu.dma_semaphore, #tpu.memory_space<semaphore_mem>>) src(%arg10 : memref<4096xf32, #tpu.memory_space<vmem>>) dst(%dma_wait3A_250 : memref<4096xf32, #tpu.memory_space<hbm>>)
    %dma_start3A_251 = arith.constant 0 : i32
    %dma_start3A_252 = tpu.memref_slice %arg5[%dma_start3A_251] : memref<1015808xf32, #tpu.memory_space<vmem_shared>> -> memref<1015808xf32, #tpu.memory_space<vmem_shared>>
    tpu.enqueue_indirect_dma source(%dma_start3A_252 : memref<1015808xf32, #tpu.memory_space<vmem_shared>>) target(%arg10 : memref<4096xf32, #tpu.memory_space<vmem>>) offsets(%arg6 : memref<4096xi32, #tpu.memory_space<vmem>>) semaphore(%arg16 : memref<!tpu.dma_semaphore, #tpu.memory_space<semaphore_mem>>)
    %dma_wait3A_253 = arith.constant 0 : i32
    %dma_wait3A_254 = tpu.memref_slice %arg5[%dma_wait3A_253] : memref<1015808xf32, #tpu.memory_space<vmem_shared>> -> memref<1015808xf32, #tpu.memory_space<vmem_shared>>
    tpu.wait_indirect_dma semaphore(%arg15 : memref<!tpu.dma_semaphore, #tpu.memory_space<semaphore_mem>>) src(%dma_wait3A_254 : memref<1015808xf32, #tpu.memory_space<vmem_shared>>) dst(%arg9 : memref<4096xf32, #tpu.memory_space<vmem>>)
    %add3A_255 = arith.constant 69632 : i32
    %add3A_256 = arith.addi %mul3A_2, %add3A_255 : i32
    %dma_start3A_257 = tpu.memref_slice %arg3[%add3A_256] : memref<3276800xi32, #tpu.memory_space<hbm>> -> memref<4096xi32, #tpu.memory_space<hbm>>
    %dma_start3A_258 = tpu.memref_slice %arg3[%add3A_256] : memref<3276800xi32, #tpu.memory_space<hbm>> -> memref<4096xi32, #tpu.memory_space<hbm>>
    tpu.enqueue_dma source(%dma_start3A_258 : memref<4096xi32, #tpu.memory_space<hbm>>) target(%arg8 : memref<4096xi32, #tpu.memory_space<vmem>>) target_semaphore(%arg14 : memref<!tpu.dma_semaphore, #tpu.memory_space<semaphore_mem>>)
    %add3A_259 = arith.constant 57344 : i32
    %add3A_260 = arith.addi %mul3A_2, %add3A_259 : i32
    %dma_start3A_261 = tpu.memref_slice %arg4[%add3A_260] : memref<3276800xf32, #tpu.memory_space<hbm>> -> memref<4096xf32, #tpu.memory_space<hbm>>
    %dma_start3A_262 = tpu.memref_slice %arg4[%add3A_260] : memref<3276800xf32, #tpu.memory_space<hbm>> -> memref<4096xf32, #tpu.memory_space<hbm>>
    tpu.enqueue_dma source(%arg9 : memref<4096xf32, #tpu.memory_space<vmem>>) target(%dma_start3A_262 : memref<4096xf32, #tpu.memory_space<hbm>>) target_semaphore(%arg17 : memref<!tpu.dma_semaphore, #tpu.memory_space<semaphore_mem>>)
    %dma_wait3A_263 = tpu.memref_slice %arg3[%add3A_240] : memref<3276800xi32, #tpu.memory_space<hbm>> -> memref<4096xi32, #tpu.memory_space<hbm>>
    %dma_wait3A_264 = tpu.memref_slice %arg3[%add3A_240] : memref<3276800xi32, #tpu.memory_space<hbm>> -> memref<4096xi32, #tpu.memory_space<hbm>>
    tpu.wait_dma2 semaphore(%arg13 : memref<!tpu.dma_semaphore, #tpu.memory_space<semaphore_mem>>) src(%dma_wait3A_264 : memref<4096xi32, #tpu.memory_space<hbm>>) dst(%arg7 : memref<4096xi32, #tpu.memory_space<vmem>>)
    %dma_wait3A_265 = tpu.memref_slice %arg4[%add3A_260] : memref<3276800xf32, #tpu.memory_space<hbm>> -> memref<4096xf32, #tpu.memory_space<hbm>>
    %dma_wait3A_266 = tpu.memref_slice %arg4[%add3A_260] : memref<3276800xf32, #tpu.memory_space<hbm>> -> memref<4096xf32, #tpu.memory_space<hbm>>
    tpu.wait_dma2 semaphore(%arg17 : memref<!tpu.dma_semaphore, #tpu.memory_space<semaphore_mem>>) src(%arg9 : memref<4096xf32, #tpu.memory_space<vmem>>) dst(%dma_wait3A_266 : memref<4096xf32, #tpu.memory_space<hbm>>)
    %dma_start3A_267 = arith.constant 0 : i32
    %dma_start3A_268 = tpu.memref_slice %arg5[%dma_start3A_267] : memref<1015808xf32, #tpu.memory_space<vmem_shared>> -> memref<1015808xf32, #tpu.memory_space<vmem_shared>>
    tpu.enqueue_indirect_dma source(%dma_start3A_268 : memref<1015808xf32, #tpu.memory_space<vmem_shared>>) target(%arg9 : memref<4096xf32, #tpu.memory_space<vmem>>) offsets(%arg7 : memref<4096xi32, #tpu.memory_space<vmem>>) semaphore(%arg15 : memref<!tpu.dma_semaphore, #tpu.memory_space<semaphore_mem>>)
    %dma_wait3A_269 = arith.constant 0 : i32
    %dma_wait3A_270 = tpu.memref_slice %arg5[%dma_wait3A_269] : memref<1015808xf32, #tpu.memory_space<vmem_shared>> -> memref<1015808xf32, #tpu.memory_space<vmem_shared>>
    tpu.wait_indirect_dma semaphore(%arg16 : memref<!tpu.dma_semaphore, #tpu.memory_space<semaphore_mem>>) src(%dma_wait3A_270 : memref<1015808xf32, #tpu.memory_space<vmem_shared>>) dst(%arg10 : memref<4096xf32, #tpu.memory_space<vmem>>)
    %add3A_271 = arith.constant 73728 : i32
    %add3A_272 = arith.addi %mul3A_2, %add3A_271 : i32
    %dma_start3A_273 = tpu.memref_slice %arg3[%add3A_272] : memref<3276800xi32, #tpu.memory_space<hbm>> -> memref<4096xi32, #tpu.memory_space<hbm>>
    %dma_start3A_274 = tpu.memref_slice %arg3[%add3A_272] : memref<3276800xi32, #tpu.memory_space<hbm>> -> memref<4096xi32, #tpu.memory_space<hbm>>
    tpu.enqueue_dma source(%dma_start3A_274 : memref<4096xi32, #tpu.memory_space<hbm>>) target(%arg6 : memref<4096xi32, #tpu.memory_space<vmem>>) target_semaphore(%arg12 : memref<!tpu.dma_semaphore, #tpu.memory_space<semaphore_mem>>)
    %add3A_275 = arith.constant 61440 : i32
    %add3A_276 = arith.addi %mul3A_2, %add3A_275 : i32
    %dma_start3A_277 = tpu.memref_slice %arg4[%add3A_276] : memref<3276800xf32, #tpu.memory_space<hbm>> -> memref<4096xf32, #tpu.memory_space<hbm>>
    %dma_start3A_278 = tpu.memref_slice %arg4[%add3A_276] : memref<3276800xf32, #tpu.memory_space<hbm>> -> memref<4096xf32, #tpu.memory_space<hbm>>
    tpu.enqueue_dma source(%arg10 : memref<4096xf32, #tpu.memory_space<vmem>>) target(%dma_start3A_278 : memref<4096xf32, #tpu.memory_space<hbm>>) target_semaphore(%arg18 : memref<!tpu.dma_semaphore, #tpu.memory_space<semaphore_mem>>)
    %dma_wait3A_279 = tpu.memref_slice %arg3[%add3A_256] : memref<3276800xi32, #tpu.memory_space<hbm>> -> memref<4096xi32, #tpu.memory_space<hbm>>
    %dma_wait3A_280 = tpu.memref_slice %arg3[%add3A_256] : memref<3276800xi32, #tpu.memory_space<hbm>> -> memref<4096xi32, #tpu.memory_space<hbm>>
    tpu.wait_dma2 semaphore(%arg14 : memref<!tpu.dma_semaphore, #tpu.memory_space<semaphore_mem>>) src(%dma_wait3A_280 : memref<4096xi32, #tpu.memory_space<hbm>>) dst(%arg8 : memref<4096xi32, #tpu.memory_space<vmem>>)
    %dma_wait3A_281 = tpu.memref_slice %arg4[%add3A_276] : memref<3276800xf32, #tpu.memory_space<hbm>> -> memref<4096xf32, #tpu.memory_space<hbm>>
    %dma_wait3A_282 = tpu.memref_slice %arg4[%add3A_276] : memref<3276800xf32, #tpu.memory_space<hbm>> -> memref<4096xf32, #tpu.memory_space<hbm>>
    tpu.wait_dma2 semaphore(%arg18 : memref<!tpu.dma_semaphore, #tpu.memory_space<semaphore_mem>>) src(%arg10 : memref<4096xf32, #tpu.memory_space<vmem>>) dst(%dma_wait3A_282 : memref<4096xf32, #tpu.memory_space<hbm>>)
    %dma_start3A_283 = arith.constant 0 : i32
    %dma_start3A_284 = tpu.memref_slice %arg5[%dma_start3A_283] : memref<1015808xf32, #tpu.memory_space<vmem_shared>> -> memref<1015808xf32, #tpu.memory_space<vmem_shared>>
    tpu.enqueue_indirect_dma source(%dma_start3A_284 : memref<1015808xf32, #tpu.memory_space<vmem_shared>>) target(%arg10 : memref<4096xf32, #tpu.memory_space<vmem>>) offsets(%arg8 : memref<4096xi32, #tpu.memory_space<vmem>>) semaphore(%arg16 : memref<!tpu.dma_semaphore, #tpu.memory_space<semaphore_mem>>)
    %dma_wait3A_285 = arith.constant 0 : i32
    %dma_wait3A_286 = tpu.memref_slice %arg5[%dma_wait3A_285] : memref<1015808xf32, #tpu.memory_space<vmem_shared>> -> memref<1015808xf32, #tpu.memory_space<vmem_shared>>
    tpu.wait_indirect_dma semaphore(%arg15 : memref<!tpu.dma_semaphore, #tpu.memory_space<semaphore_mem>>) src(%dma_wait3A_286 : memref<1015808xf32, #tpu.memory_space<vmem_shared>>) dst(%arg9 : memref<4096xf32, #tpu.memory_space<vmem>>)
    %add3A_287 = arith.constant 77824 : i32
    %add3A_288 = arith.addi %mul3A_2, %add3A_287 : i32
    %dma_start3A_289 = tpu.memref_slice %arg3[%add3A_288] : memref<3276800xi32, #tpu.memory_space<hbm>> -> memref<4096xi32, #tpu.memory_space<hbm>>
    %dma_start3A_290 = tpu.memref_slice %arg3[%add3A_288] : memref<3276800xi32, #tpu.memory_space<hbm>> -> memref<4096xi32, #tpu.memory_space<hbm>>
    tpu.enqueue_dma source(%dma_start3A_290 : memref<4096xi32, #tpu.memory_space<hbm>>) target(%arg7 : memref<4096xi32, #tpu.memory_space<vmem>>) target_semaphore(%arg13 : memref<!tpu.dma_semaphore, #tpu.memory_space<semaphore_mem>>)
    %add3A_291 = arith.constant 65536 : i32
    %add3A_292 = arith.addi %mul3A_2, %add3A_291 : i32
    %dma_start3A_293 = tpu.memref_slice %arg4[%add3A_292] : memref<3276800xf32, #tpu.memory_space<hbm>> -> memref<4096xf32, #tpu.memory_space<hbm>>
    %dma_start3A_294 = tpu.memref_slice %arg4[%add3A_292] : memref<3276800xf32, #tpu.memory_space<hbm>> -> memref<4096xf32, #tpu.memory_space<hbm>>
    tpu.enqueue_dma source(%arg9 : memref<4096xf32, #tpu.memory_space<vmem>>) target(%dma_start3A_294 : memref<4096xf32, #tpu.memory_space<hbm>>) target_semaphore(%arg17 : memref<!tpu.dma_semaphore, #tpu.memory_space<semaphore_mem>>)
    %dma_wait3A_295 = tpu.memref_slice %arg3[%add3A_272] : memref<3276800xi32, #tpu.memory_space<hbm>> -> memref<4096xi32, #tpu.memory_space<hbm>>
    %dma_wait3A_296 = tpu.memref_slice %arg3[%add3A_272] : memref<3276800xi32, #tpu.memory_space<hbm>> -> memref<4096xi32, #tpu.memory_space<hbm>>
    tpu.wait_dma2 semaphore(%arg12 : memref<!tpu.dma_semaphore, #tpu.memory_space<semaphore_mem>>) src(%dma_wait3A_296 : memref<4096xi32, #tpu.memory_space<hbm>>) dst(%arg6 : memref<4096xi32, #tpu.memory_space<vmem>>)
    %dma_wait3A_297 = tpu.memref_slice %arg4[%add3A_292] : memref<3276800xf32, #tpu.memory_space<hbm>> -> memref<4096xf32, #tpu.memory_space<hbm>>
    %dma_wait3A_298 = tpu.memref_slice %arg4[%add3A_292] : memref<3276800xf32, #tpu.memory_space<hbm>> -> memref<4096xf32, #tpu.memory_space<hbm>>
    tpu.wait_dma2 semaphore(%arg17 : memref<!tpu.dma_semaphore, #tpu.memory_space<semaphore_mem>>) src(%arg9 : memref<4096xf32, #tpu.memory_space<vmem>>) dst(%dma_wait3A_298 : memref<4096xf32, #tpu.memory_space<hbm>>)
    %dma_start3A_299 = arith.constant 0 : i32
    %dma_start3A_300 = tpu.memref_slice %arg5[%dma_start3A_299] : memref<1015808xf32, #tpu.memory_space<vmem_shared>> -> memref<1015808xf32, #tpu.memory_space<vmem_shared>>
    tpu.enqueue_indirect_dma source(%dma_start3A_300 : memref<1015808xf32, #tpu.memory_space<vmem_shared>>) target(%arg9 : memref<4096xf32, #tpu.memory_space<vmem>>) offsets(%arg6 : memref<4096xi32, #tpu.memory_space<vmem>>) semaphore(%arg15 : memref<!tpu.dma_semaphore, #tpu.memory_space<semaphore_mem>>)
    %dma_wait3A_301 = arith.constant 0 : i32
    %dma_wait3A_302 = tpu.memref_slice %arg5[%dma_wait3A_301] : memref<1015808xf32, #tpu.memory_space<vmem_shared>> -> memref<1015808xf32, #tpu.memory_space<vmem_shared>>
    tpu.wait_indirect_dma semaphore(%arg16 : memref<!tpu.dma_semaphore, #tpu.memory_space<semaphore_mem>>) src(%dma_wait3A_302 : memref<1015808xf32, #tpu.memory_space<vmem_shared>>) dst(%arg10 : memref<4096xf32, #tpu.memory_space<vmem>>)
    %add3A_303 = arith.constant 81920 : i32
    %add3A_304 = arith.addi %mul3A_2, %add3A_303 : i32
    %dma_start3A_305 = tpu.memref_slice %arg3[%add3A_304] : memref<3276800xi32, #tpu.memory_space<hbm>> -> memref<4096xi32, #tpu.memory_space<hbm>>
    %dma_start3A_306 = tpu.memref_slice %arg3[%add3A_304] : memref<3276800xi32, #tpu.memory_space<hbm>> -> memref<4096xi32, #tpu.memory_space<hbm>>
    tpu.enqueue_dma source(%dma_start3A_306 : memref<4096xi32, #tpu.memory_space<hbm>>) target(%arg8 : memref<4096xi32, #tpu.memory_space<vmem>>) target_semaphore(%arg14 : memref<!tpu.dma_semaphore, #tpu.memory_space<semaphore_mem>>)
    %add3A_307 = arith.constant 69632 : i32
    %add3A_308 = arith.addi %mul3A_2, %add3A_307 : i32
    %dma_start3A_309 = tpu.memref_slice %arg4[%add3A_308] : memref<3276800xf32, #tpu.memory_space<hbm>> -> memref<4096xf32, #tpu.memory_space<hbm>>
    %dma_start3A_310 = tpu.memref_slice %arg4[%add3A_308] : memref<3276800xf32, #tpu.memory_space<hbm>> -> memref<4096xf32, #tpu.memory_space<hbm>>
    tpu.enqueue_dma source(%arg10 : memref<4096xf32, #tpu.memory_space<vmem>>) target(%dma_start3A_310 : memref<4096xf32, #tpu.memory_space<hbm>>) target_semaphore(%arg18 : memref<!tpu.dma_semaphore, #tpu.memory_space<semaphore_mem>>)
    %dma_wait3A_311 = tpu.memref_slice %arg3[%add3A_288] : memref<3276800xi32, #tpu.memory_space<hbm>> -> memref<4096xi32, #tpu.memory_space<hbm>>
    %dma_wait3A_312 = tpu.memref_slice %arg3[%add3A_288] : memref<3276800xi32, #tpu.memory_space<hbm>> -> memref<4096xi32, #tpu.memory_space<hbm>>
    tpu.wait_dma2 semaphore(%arg13 : memref<!tpu.dma_semaphore, #tpu.memory_space<semaphore_mem>>) src(%dma_wait3A_312 : memref<4096xi32, #tpu.memory_space<hbm>>) dst(%arg7 : memref<4096xi32, #tpu.memory_space<vmem>>)
    %dma_wait3A_313 = tpu.memref_slice %arg4[%add3A_308] : memref<3276800xf32, #tpu.memory_space<hbm>> -> memref<4096xf32, #tpu.memory_space<hbm>>
    %dma_wait3A_314 = tpu.memref_slice %arg4[%add3A_308] : memref<3276800xf32, #tpu.memory_space<hbm>> -> memref<4096xf32, #tpu.memory_space<hbm>>
    tpu.wait_dma2 semaphore(%arg18 : memref<!tpu.dma_semaphore, #tpu.memory_space<semaphore_mem>>) src(%arg10 : memref<4096xf32, #tpu.memory_space<vmem>>) dst(%dma_wait3A_314 : memref<4096xf32, #tpu.memory_space<hbm>>)
    %dma_start3A_315 = arith.constant 0 : i32
    %dma_start3A_316 = tpu.memref_slice %arg5[%dma_start3A_315] : memref<1015808xf32, #tpu.memory_space<vmem_shared>> -> memref<1015808xf32, #tpu.memory_space<vmem_shared>>
    tpu.enqueue_indirect_dma source(%dma_start3A_316 : memref<1015808xf32, #tpu.memory_space<vmem_shared>>) target(%arg10 : memref<4096xf32, #tpu.memory_space<vmem>>) offsets(%arg7 : memref<4096xi32, #tpu.memory_space<vmem>>) semaphore(%arg16 : memref<!tpu.dma_semaphore, #tpu.memory_space<semaphore_mem>>)
    %dma_wait3A_317 = arith.constant 0 : i32
    %dma_wait3A_318 = tpu.memref_slice %arg5[%dma_wait3A_317] : memref<1015808xf32, #tpu.memory_space<vmem_shared>> -> memref<1015808xf32, #tpu.memory_space<vmem_shared>>
    tpu.wait_indirect_dma semaphore(%arg15 : memref<!tpu.dma_semaphore, #tpu.memory_space<semaphore_mem>>) src(%dma_wait3A_318 : memref<1015808xf32, #tpu.memory_space<vmem_shared>>) dst(%arg9 : memref<4096xf32, #tpu.memory_space<vmem>>)
    %add3A_319 = arith.constant 86016 : i32
    %add3A_320 = arith.addi %mul3A_2, %add3A_319 : i32
    %dma_start3A_321 = tpu.memref_slice %arg3[%add3A_320] : memref<3276800xi32, #tpu.memory_space<hbm>> -> memref<4096xi32, #tpu.memory_space<hbm>>
    %dma_start3A_322 = tpu.memref_slice %arg3[%add3A_320] : memref<3276800xi32, #tpu.memory_space<hbm>> -> memref<4096xi32, #tpu.memory_space<hbm>>
    tpu.enqueue_dma source(%dma_start3A_322 : memref<4096xi32, #tpu.memory_space<hbm>>) target(%arg6 : memref<4096xi32, #tpu.memory_space<vmem>>) target_semaphore(%arg12 : memref<!tpu.dma_semaphore, #tpu.memory_space<semaphore_mem>>)
    %add3A_323 = arith.constant 73728 : i32
    %add3A_324 = arith.addi %mul3A_2, %add3A_323 : i32
    %dma_start3A_325 = tpu.memref_slice %arg4[%add3A_324] : memref<3276800xf32, #tpu.memory_space<hbm>> -> memref<4096xf32, #tpu.memory_space<hbm>>
    %dma_start3A_326 = tpu.memref_slice %arg4[%add3A_324] : memref<3276800xf32, #tpu.memory_space<hbm>> -> memref<4096xf32, #tpu.memory_space<hbm>>
    tpu.enqueue_dma source(%arg9 : memref<4096xf32, #tpu.memory_space<vmem>>) target(%dma_start3A_326 : memref<4096xf32, #tpu.memory_space<hbm>>) target_semaphore(%arg17 : memref<!tpu.dma_semaphore, #tpu.memory_space<semaphore_mem>>)
    %dma_wait3A_327 = tpu.memref_slice %arg3[%add3A_304] : memref<3276800xi32, #tpu.memory_space<hbm>> -> memref<4096xi32, #tpu.memory_space<hbm>>
    %dma_wait3A_328 = tpu.memref_slice %arg3[%add3A_304] : memref<3276800xi32, #tpu.memory_space<hbm>> -> memref<4096xi32, #tpu.memory_space<hbm>>
    tpu.wait_dma2 semaphore(%arg14 : memref<!tpu.dma_semaphore, #tpu.memory_space<semaphore_mem>>) src(%dma_wait3A_328 : memref<4096xi32, #tpu.memory_space<hbm>>) dst(%arg8 : memref<4096xi32, #tpu.memory_space<vmem>>)
    %dma_wait3A_329 = tpu.memref_slice %arg4[%add3A_324] : memref<3276800xf32, #tpu.memory_space<hbm>> -> memref<4096xf32, #tpu.memory_space<hbm>>
    %dma_wait3A_330 = tpu.memref_slice %arg4[%add3A_324] : memref<3276800xf32, #tpu.memory_space<hbm>> -> memref<4096xf32, #tpu.memory_space<hbm>>
    tpu.wait_dma2 semaphore(%arg17 : memref<!tpu.dma_semaphore, #tpu.memory_space<semaphore_mem>>) src(%arg9 : memref<4096xf32, #tpu.memory_space<vmem>>) dst(%dma_wait3A_330 : memref<4096xf32, #tpu.memory_space<hbm>>)
    %dma_start3A_331 = arith.constant 0 : i32
    %dma_start3A_332 = tpu.memref_slice %arg5[%dma_start3A_331] : memref<1015808xf32, #tpu.memory_space<vmem_shared>> -> memref<1015808xf32, #tpu.memory_space<vmem_shared>>
    tpu.enqueue_indirect_dma source(%dma_start3A_332 : memref<1015808xf32, #tpu.memory_space<vmem_shared>>) target(%arg9 : memref<4096xf32, #tpu.memory_space<vmem>>) offsets(%arg8 : memref<4096xi32, #tpu.memory_space<vmem>>) semaphore(%arg15 : memref<!tpu.dma_semaphore, #tpu.memory_space<semaphore_mem>>)
    %dma_wait3A_333 = arith.constant 0 : i32
    %dma_wait3A_334 = tpu.memref_slice %arg5[%dma_wait3A_333] : memref<1015808xf32, #tpu.memory_space<vmem_shared>> -> memref<1015808xf32, #tpu.memory_space<vmem_shared>>
    tpu.wait_indirect_dma semaphore(%arg16 : memref<!tpu.dma_semaphore, #tpu.memory_space<semaphore_mem>>) src(%dma_wait3A_334 : memref<1015808xf32, #tpu.memory_space<vmem_shared>>) dst(%arg10 : memref<4096xf32, #tpu.memory_space<vmem>>)
    %add3A_335 = arith.constant 90112 : i32
    %add3A_336 = arith.addi %mul3A_2, %add3A_335 : i32
    %dma_start3A_337 = tpu.memref_slice %arg3[%add3A_336] : memref<3276800xi32, #tpu.memory_space<hbm>> -> memref<4096xi32, #tpu.memory_space<hbm>>
    %dma_start3A_338 = tpu.memref_slice %arg3[%add3A_336] : memref<3276800xi32, #tpu.memory_space<hbm>> -> memref<4096xi32, #tpu.memory_space<hbm>>
    tpu.enqueue_dma source(%dma_start3A_338 : memref<4096xi32, #tpu.memory_space<hbm>>) target(%arg7 : memref<4096xi32, #tpu.memory_space<vmem>>) target_semaphore(%arg13 : memref<!tpu.dma_semaphore, #tpu.memory_space<semaphore_mem>>)
    %add3A_339 = arith.constant 77824 : i32
    %add3A_340 = arith.addi %mul3A_2, %add3A_339 : i32
    %dma_start3A_341 = tpu.memref_slice %arg4[%add3A_340] : memref<3276800xf32, #tpu.memory_space<hbm>> -> memref<4096xf32, #tpu.memory_space<hbm>>
    %dma_start3A_342 = tpu.memref_slice %arg4[%add3A_340] : memref<3276800xf32, #tpu.memory_space<hbm>> -> memref<4096xf32, #tpu.memory_space<hbm>>
    tpu.enqueue_dma source(%arg10 : memref<4096xf32, #tpu.memory_space<vmem>>) target(%dma_start3A_342 : memref<4096xf32, #tpu.memory_space<hbm>>) target_semaphore(%arg18 : memref<!tpu.dma_semaphore, #tpu.memory_space<semaphore_mem>>)
    %dma_wait3A_343 = tpu.memref_slice %arg3[%add3A_320] : memref<3276800xi32, #tpu.memory_space<hbm>> -> memref<4096xi32, #tpu.memory_space<hbm>>
    %dma_wait3A_344 = tpu.memref_slice %arg3[%add3A_320] : memref<3276800xi32, #tpu.memory_space<hbm>> -> memref<4096xi32, #tpu.memory_space<hbm>>
    tpu.wait_dma2 semaphore(%arg12 : memref<!tpu.dma_semaphore, #tpu.memory_space<semaphore_mem>>) src(%dma_wait3A_344 : memref<4096xi32, #tpu.memory_space<hbm>>) dst(%arg6 : memref<4096xi32, #tpu.memory_space<vmem>>)
    %dma_wait3A_345 = tpu.memref_slice %arg4[%add3A_340] : memref<3276800xf32, #tpu.memory_space<hbm>> -> memref<4096xf32, #tpu.memory_space<hbm>>
    %dma_wait3A_346 = tpu.memref_slice %arg4[%add3A_340] : memref<3276800xf32, #tpu.memory_space<hbm>> -> memref<4096xf32, #tpu.memory_space<hbm>>
    tpu.wait_dma2 semaphore(%arg18 : memref<!tpu.dma_semaphore, #tpu.memory_space<semaphore_mem>>) src(%arg10 : memref<4096xf32, #tpu.memory_space<vmem>>) dst(%dma_wait3A_346 : memref<4096xf32, #tpu.memory_space<hbm>>)
    %dma_start3A_347 = arith.constant 0 : i32
    %dma_start3A_348 = tpu.memref_slice %arg5[%dma_start3A_347] : memref<1015808xf32, #tpu.memory_space<vmem_shared>> -> memref<1015808xf32, #tpu.memory_space<vmem_shared>>
    tpu.enqueue_indirect_dma source(%dma_start3A_348 : memref<1015808xf32, #tpu.memory_space<vmem_shared>>) target(%arg10 : memref<4096xf32, #tpu.memory_space<vmem>>) offsets(%arg6 : memref<4096xi32, #tpu.memory_space<vmem>>) semaphore(%arg16 : memref<!tpu.dma_semaphore, #tpu.memory_space<semaphore_mem>>)
    %dma_wait3A_349 = arith.constant 0 : i32
    %dma_wait3A_350 = tpu.memref_slice %arg5[%dma_wait3A_349] : memref<1015808xf32, #tpu.memory_space<vmem_shared>> -> memref<1015808xf32, #tpu.memory_space<vmem_shared>>
    tpu.wait_indirect_dma semaphore(%arg15 : memref<!tpu.dma_semaphore, #tpu.memory_space<semaphore_mem>>) src(%dma_wait3A_350 : memref<1015808xf32, #tpu.memory_space<vmem_shared>>) dst(%arg9 : memref<4096xf32, #tpu.memory_space<vmem>>)
    %add3A_351 = arith.constant 94208 : i32
    %add3A_352 = arith.addi %mul3A_2, %add3A_351 : i32
    %dma_start3A_353 = tpu.memref_slice %arg3[%add3A_352] : memref<3276800xi32, #tpu.memory_space<hbm>> -> memref<4096xi32, #tpu.memory_space<hbm>>
    %dma_start3A_354 = tpu.memref_slice %arg3[%add3A_352] : memref<3276800xi32, #tpu.memory_space<hbm>> -> memref<4096xi32, #tpu.memory_space<hbm>>
    tpu.enqueue_dma source(%dma_start3A_354 : memref<4096xi32, #tpu.memory_space<hbm>>) target(%arg8 : memref<4096xi32, #tpu.memory_space<vmem>>) target_semaphore(%arg14 : memref<!tpu.dma_semaphore, #tpu.memory_space<semaphore_mem>>)
    %add3A_355 = arith.constant 81920 : i32
    %add3A_356 = arith.addi %mul3A_2, %add3A_355 : i32
    %dma_start3A_357 = tpu.memref_slice %arg4[%add3A_356] : memref<3276800xf32, #tpu.memory_space<hbm>> -> memref<4096xf32, #tpu.memory_space<hbm>>
    %dma_start3A_358 = tpu.memref_slice %arg4[%add3A_356] : memref<3276800xf32, #tpu.memory_space<hbm>> -> memref<4096xf32, #tpu.memory_space<hbm>>
    tpu.enqueue_dma source(%arg9 : memref<4096xf32, #tpu.memory_space<vmem>>) target(%dma_start3A_358 : memref<4096xf32, #tpu.memory_space<hbm>>) target_semaphore(%arg17 : memref<!tpu.dma_semaphore, #tpu.memory_space<semaphore_mem>>)
    %dma_wait3A_359 = tpu.memref_slice %arg3[%add3A_336] : memref<3276800xi32, #tpu.memory_space<hbm>> -> memref<4096xi32, #tpu.memory_space<hbm>>
    %dma_wait3A_360 = tpu.memref_slice %arg3[%add3A_336] : memref<3276800xi32, #tpu.memory_space<hbm>> -> memref<4096xi32, #tpu.memory_space<hbm>>
    tpu.wait_dma2 semaphore(%arg13 : memref<!tpu.dma_semaphore, #tpu.memory_space<semaphore_mem>>) src(%dma_wait3A_360 : memref<4096xi32, #tpu.memory_space<hbm>>) dst(%arg7 : memref<4096xi32, #tpu.memory_space<vmem>>)
    %dma_wait3A_361 = tpu.memref_slice %arg4[%add3A_356] : memref<3276800xf32, #tpu.memory_space<hbm>> -> memref<4096xf32, #tpu.memory_space<hbm>>
    %dma_wait3A_362 = tpu.memref_slice %arg4[%add3A_356] : memref<3276800xf32, #tpu.memory_space<hbm>> -> memref<4096xf32, #tpu.memory_space<hbm>>
    tpu.wait_dma2 semaphore(%arg17 : memref<!tpu.dma_semaphore, #tpu.memory_space<semaphore_mem>>) src(%arg9 : memref<4096xf32, #tpu.memory_space<vmem>>) dst(%dma_wait3A_362 : memref<4096xf32, #tpu.memory_space<hbm>>)
    %dma_start3A_363 = arith.constant 0 : i32
    %dma_start3A_364 = tpu.memref_slice %arg5[%dma_start3A_363] : memref<1015808xf32, #tpu.memory_space<vmem_shared>> -> memref<1015808xf32, #tpu.memory_space<vmem_shared>>
    tpu.enqueue_indirect_dma source(%dma_start3A_364 : memref<1015808xf32, #tpu.memory_space<vmem_shared>>) target(%arg9 : memref<4096xf32, #tpu.memory_space<vmem>>) offsets(%arg7 : memref<4096xi32, #tpu.memory_space<vmem>>) semaphore(%arg15 : memref<!tpu.dma_semaphore, #tpu.memory_space<semaphore_mem>>)
    %dma_wait3A_365 = arith.constant 0 : i32
    %dma_wait3A_366 = tpu.memref_slice %arg5[%dma_wait3A_365] : memref<1015808xf32, #tpu.memory_space<vmem_shared>> -> memref<1015808xf32, #tpu.memory_space<vmem_shared>>
    tpu.wait_indirect_dma semaphore(%arg16 : memref<!tpu.dma_semaphore, #tpu.memory_space<semaphore_mem>>) src(%dma_wait3A_366 : memref<1015808xf32, #tpu.memory_space<vmem_shared>>) dst(%arg10 : memref<4096xf32, #tpu.memory_space<vmem>>)
    %add3A_367 = arith.constant 98304 : i32
    %add3A_368 = arith.addi %mul3A_2, %add3A_367 : i32
    %dma_start3A_369 = tpu.memref_slice %arg3[%add3A_368] : memref<3276800xi32, #tpu.memory_space<hbm>> -> memref<4096xi32, #tpu.memory_space<hbm>>
    %dma_start3A_370 = tpu.memref_slice %arg3[%add3A_368] : memref<3276800xi32, #tpu.memory_space<hbm>> -> memref<4096xi32, #tpu.memory_space<hbm>>
    tpu.enqueue_dma source(%dma_start3A_370 : memref<4096xi32, #tpu.memory_space<hbm>>) target(%arg6 : memref<4096xi32, #tpu.memory_space<vmem>>) target_semaphore(%arg12 : memref<!tpu.dma_semaphore, #tpu.memory_space<semaphore_mem>>)
    %add3A_371 = arith.constant 86016 : i32
    %add3A_372 = arith.addi %mul3A_2, %add3A_371 : i32
    %dma_start3A_373 = tpu.memref_slice %arg4[%add3A_372] : memref<3276800xf32, #tpu.memory_space<hbm>> -> memref<4096xf32, #tpu.memory_space<hbm>>
    %dma_start3A_374 = tpu.memref_slice %arg4[%add3A_372] : memref<3276800xf32, #tpu.memory_space<hbm>> -> memref<4096xf32, #tpu.memory_space<hbm>>
    tpu.enqueue_dma source(%arg10 : memref<4096xf32, #tpu.memory_space<vmem>>) target(%dma_start3A_374 : memref<4096xf32, #tpu.memory_space<hbm>>) target_semaphore(%arg18 : memref<!tpu.dma_semaphore, #tpu.memory_space<semaphore_mem>>)
    %dma_wait3A_375 = tpu.memref_slice %arg3[%add3A_352] : memref<3276800xi32, #tpu.memory_space<hbm>> -> memref<4096xi32, #tpu.memory_space<hbm>>
    %dma_wait3A_376 = tpu.memref_slice %arg3[%add3A_352] : memref<3276800xi32, #tpu.memory_space<hbm>> -> memref<4096xi32, #tpu.memory_space<hbm>>
    tpu.wait_dma2 semaphore(%arg14 : memref<!tpu.dma_semaphore, #tpu.memory_space<semaphore_mem>>) src(%dma_wait3A_376 : memref<4096xi32, #tpu.memory_space<hbm>>) dst(%arg8 : memref<4096xi32, #tpu.memory_space<vmem>>)
    %dma_wait3A_377 = tpu.memref_slice %arg4[%add3A_372] : memref<3276800xf32, #tpu.memory_space<hbm>> -> memref<4096xf32, #tpu.memory_space<hbm>>
    %dma_wait3A_378 = tpu.memref_slice %arg4[%add3A_372] : memref<3276800xf32, #tpu.memory_space<hbm>> -> memref<4096xf32, #tpu.memory_space<hbm>>
    tpu.wait_dma2 semaphore(%arg18 : memref<!tpu.dma_semaphore, #tpu.memory_space<semaphore_mem>>) src(%arg10 : memref<4096xf32, #tpu.memory_space<vmem>>) dst(%dma_wait3A_378 : memref<4096xf32, #tpu.memory_space<hbm>>)
    %dma_start3A_379 = arith.constant 0 : i32
    %dma_start3A_380 = tpu.memref_slice %arg5[%dma_start3A_379] : memref<1015808xf32, #tpu.memory_space<vmem_shared>> -> memref<1015808xf32, #tpu.memory_space<vmem_shared>>
    tpu.enqueue_indirect_dma source(%dma_start3A_380 : memref<1015808xf32, #tpu.memory_space<vmem_shared>>) target(%arg10 : memref<4096xf32, #tpu.memory_space<vmem>>) offsets(%arg8 : memref<4096xi32, #tpu.memory_space<vmem>>) semaphore(%arg16 : memref<!tpu.dma_semaphore, #tpu.memory_space<semaphore_mem>>)
    %dma_wait3A_381 = arith.constant 0 : i32
    %dma_wait3A_382 = tpu.memref_slice %arg5[%dma_wait3A_381] : memref<1015808xf32, #tpu.memory_space<vmem_shared>> -> memref<1015808xf32, #tpu.memory_space<vmem_shared>>
    tpu.wait_indirect_dma semaphore(%arg15 : memref<!tpu.dma_semaphore, #tpu.memory_space<semaphore_mem>>) src(%dma_wait3A_382 : memref<1015808xf32, #tpu.memory_space<vmem_shared>>) dst(%arg9 : memref<4096xf32, #tpu.memory_space<vmem>>)
    %add3A_383 = arith.constant 90112 : i32
    %add3A_384 = arith.addi %mul3A_2, %add3A_383 : i32
    %dma_start3A_385 = tpu.memref_slice %arg4[%add3A_384] : memref<3276800xf32, #tpu.memory_space<hbm>> -> memref<4096xf32, #tpu.memory_space<hbm>>
    %dma_start3A_386 = tpu.memref_slice %arg4[%add3A_384] : memref<3276800xf32, #tpu.memory_space<hbm>> -> memref<4096xf32, #tpu.memory_space<hbm>>
    tpu.enqueue_dma source(%arg9 : memref<4096xf32, #tpu.memory_space<vmem>>) target(%dma_start3A_386 : memref<4096xf32, #tpu.memory_space<hbm>>) target_semaphore(%arg17 : memref<!tpu.dma_semaphore, #tpu.memory_space<semaphore_mem>>)
    %dma_wait3A_387 = tpu.memref_slice %arg3[%add3A_368] : memref<3276800xi32, #tpu.memory_space<hbm>> -> memref<4096xi32, #tpu.memory_space<hbm>>
    %dma_wait3A_388 = tpu.memref_slice %arg3[%add3A_368] : memref<3276800xi32, #tpu.memory_space<hbm>> -> memref<4096xi32, #tpu.memory_space<hbm>>
    tpu.wait_dma2 semaphore(%arg12 : memref<!tpu.dma_semaphore, #tpu.memory_space<semaphore_mem>>) src(%dma_wait3A_388 : memref<4096xi32, #tpu.memory_space<hbm>>) dst(%arg6 : memref<4096xi32, #tpu.memory_space<vmem>>)
    %dma_wait3A_389 = tpu.memref_slice %arg4[%add3A_384] : memref<3276800xf32, #tpu.memory_space<hbm>> -> memref<4096xf32, #tpu.memory_space<hbm>>
    %dma_wait3A_390 = tpu.memref_slice %arg4[%add3A_384] : memref<3276800xf32, #tpu.memory_space<hbm>> -> memref<4096xf32, #tpu.memory_space<hbm>>
    tpu.wait_dma2 semaphore(%arg17 : memref<!tpu.dma_semaphore, #tpu.memory_space<semaphore_mem>>) src(%arg9 : memref<4096xf32, #tpu.memory_space<vmem>>) dst(%dma_wait3A_390 : memref<4096xf32, #tpu.memory_space<hbm>>)
    %dma_start3A_391 = arith.constant 0 : i32
    %dma_start3A_392 = tpu.memref_slice %arg5[%dma_start3A_391] : memref<1015808xf32, #tpu.memory_space<vmem_shared>> -> memref<1015808xf32, #tpu.memory_space<vmem_shared>>
    tpu.enqueue_indirect_dma source(%dma_start3A_392 : memref<1015808xf32, #tpu.memory_space<vmem_shared>>) target(%arg9 : memref<4096xf32, #tpu.memory_space<vmem>>) offsets(%arg6 : memref<4096xi32, #tpu.memory_space<vmem>>) semaphore(%arg15 : memref<!tpu.dma_semaphore, #tpu.memory_space<semaphore_mem>>)
    %dma_wait3A_393 = arith.constant 0 : i32
    %dma_wait3A_394 = tpu.memref_slice %arg5[%dma_wait3A_393] : memref<1015808xf32, #tpu.memory_space<vmem_shared>> -> memref<1015808xf32, #tpu.memory_space<vmem_shared>>
    tpu.wait_indirect_dma semaphore(%arg16 : memref<!tpu.dma_semaphore, #tpu.memory_space<semaphore_mem>>) src(%dma_wait3A_394 : memref<1015808xf32, #tpu.memory_space<vmem_shared>>) dst(%arg10 : memref<4096xf32, #tpu.memory_space<vmem>>)
    %add3A_395 = arith.constant 94208 : i32
    %add3A_396 = arith.addi %mul3A_2, %add3A_395 : i32
    %dma_start3A_397 = tpu.memref_slice %arg4[%add3A_396] : memref<3276800xf32, #tpu.memory_space<hbm>> -> memref<4096xf32, #tpu.memory_space<hbm>>
    %dma_start3A_398 = tpu.memref_slice %arg4[%add3A_396] : memref<3276800xf32, #tpu.memory_space<hbm>> -> memref<4096xf32, #tpu.memory_space<hbm>>
    tpu.enqueue_dma source(%arg10 : memref<4096xf32, #tpu.memory_space<vmem>>) target(%dma_start3A_398 : memref<4096xf32, #tpu.memory_space<hbm>>) target_semaphore(%arg18 : memref<!tpu.dma_semaphore, #tpu.memory_space<semaphore_mem>>)
    %dma_wait3A_399 = arith.constant 0 : i32
    %dma_wait3A_400 = tpu.memref_slice %arg5[%dma_wait3A_399] : memref<1015808xf32, #tpu.memory_space<vmem_shared>> -> memref<1015808xf32, #tpu.memory_space<vmem_shared>>
    tpu.wait_indirect_dma semaphore(%arg15 : memref<!tpu.dma_semaphore, #tpu.memory_space<semaphore_mem>>) src(%dma_wait3A_400 : memref<1015808xf32, #tpu.memory_space<vmem_shared>>) dst(%arg9 : memref<4096xf32, #tpu.memory_space<vmem>>)
    %add3A_401 = arith.constant 98304 : i32
    %add3A_402 = arith.addi %mul3A_2, %add3A_401 : i32
    %dma_start3A_403 = tpu.memref_slice %arg4[%add3A_402] : memref<3276800xf32, #tpu.memory_space<hbm>> -> memref<4096xf32, #tpu.memory_space<hbm>>
    %dma_start3A_404 = tpu.memref_slice %arg4[%add3A_402] : memref<3276800xf32, #tpu.memory_space<hbm>> -> memref<4096xf32, #tpu.memory_space<hbm>>
    tpu.enqueue_dma source(%arg9 : memref<4096xf32, #tpu.memory_space<vmem>>) target(%dma_start3A_404 : memref<4096xf32, #tpu.memory_space<hbm>>) target_semaphore(%arg17 : memref<!tpu.dma_semaphore, #tpu.memory_space<semaphore_mem>>)
    %dma_wait3A_405 = tpu.memref_slice %arg4[%add3A_396] : memref<3276800xf32, #tpu.memory_space<hbm>> -> memref<4096xf32, #tpu.memory_space<hbm>>
    %dma_wait3A_406 = tpu.memref_slice %arg4[%add3A_396] : memref<3276800xf32, #tpu.memory_space<hbm>> -> memref<4096xf32, #tpu.memory_space<hbm>>
    tpu.wait_dma2 semaphore(%arg18 : memref<!tpu.dma_semaphore, #tpu.memory_space<semaphore_mem>>) src(%arg10 : memref<4096xf32, #tpu.memory_space<vmem>>) dst(%dma_wait3A_406 : memref<4096xf32, #tpu.memory_space<hbm>>)
    %dma_wait3A_407 = tpu.memref_slice %arg4[%add3A_402] : memref<3276800xf32, #tpu.memory_space<hbm>> -> memref<4096xf32, #tpu.memory_space<hbm>>
    %dma_wait3A_408 = tpu.memref_slice %arg4[%add3A_402] : memref<3276800xf32, #tpu.memory_space<hbm>> -> memref<4096xf32, #tpu.memory_space<hbm>>
    tpu.wait_dma2 semaphore(%arg17 : memref<!tpu.dma_semaphore, #tpu.memory_space<semaphore_mem>>) src(%arg9 : memref<4096xf32, #tpu.memory_space<vmem>>) dst(%dma_wait3A_408 : memref<4096xf32, #tpu.memory_space<hbm>>)
    return
  }
}

module attributes {stable_mosaic.version = 14 : i64} {
  func.func @_project_body(%arg0: i32, %arg1: memref<32x32768xf32, #tpu.memory_space<vmem>>, %arg2: memref<32x1xf32, #tpu.memory_space<vmem>>, %arg3: memref<1x1xf32, #tpu.memory_space<smem>>, %arg4: memref<32768xf32, #tpu.memory_space<vmem>>) attributes {dimension_semantics = [#tpu.dimension_semantics<arbitrary>], iteration_bounds = array<i64: 31>, scalar_prefetch = 0 : i64, scratch_operands = 0 : i64, tpu.core_type = #tpu.core_type<tc>, window_params = [{transform_indices = @transform_0, window_bounds = array<i64: 32, 32768>}, {pipeline_mode = #tpu.pipeline_mode<synchronous>, transform_indices = @transform_1, window_bounds = array<i64: 32, 1>}, {transform_indices = @transform_2, window_bounds = array<i64: 1, 1>}, {transform_indices = @transform_3, window_bounds = array<i64: 32768>}]} {
    %get3A = arith.constant 0 : index
    %get3A_0 = arith.constant 0 : index
    %get3A_1 = vector.load %arg1[%get3A, %get3A_0] : memref<32x32768xf32, #tpu.memory_space<vmem>>, vector<32x32768xf32>
    %get3A_2 = arith.constant 0 : index
    %get3A_3 = arith.constant 0 : index
    %get3A_4 = vector.load %arg2[%get3A_2, %get3A_3] : memref<32x1xf32, #tpu.memory_space<vmem>>, vector<32x1xf32>
    %mul3A = vector.broadcast %get3A_4 : vector<32x1xf32> to vector<32x32768xf32>
    %mul3A_5 = arith.mulf %get3A_1, %mul3A : vector<32x32768xf32>
    %reduce_sum3A = arith.constant dense<0.000000e+00> : vector<32768xf32>
    %reduce_sum3A_6 = vector.multi_reduction <add>, %mul3A_5, %reduce_sum3A [0] : vector<32x32768xf32> to vector<32768xf32>
    %get3A_7 = arith.constant 0 : index
    %get3A_8 = arith.constant 0 : index
    %get3A_9 = memref.load %arg3[%get3A_7, %get3A_8] : memref<1x1xf32, #tpu.memory_space<smem>>
    %add3A = vector.broadcast %get3A_9 : f32 to vector<32768xf32>
    %add3A_10 = arith.addf %reduce_sum3A_6, %add3A : vector<32768xf32>
    %swap3A = arith.constant 0 : index
    %swap3A_11 = vector.load %arg4[%swap3A] : memref<32768xf32, #tpu.memory_space<vmem>>, vector<32768xf32>
    tpu.vector_store %arg4[%swap3A], %add3A_10 {strides = array<i32>} : memref<32768xf32, #tpu.memory_space<vmem>>, vector<32768xf32>,
    return
  }
  func.func @transform_0(%arg0: i32) -> (i32, i32) {
    %c0_i32 = arith.constant 0 : i32
    %c0_i32_0 = arith.constant 0 : i32
    return %c0_i32, %arg0 : i32, i32
  }
  func.func @transform_1(%arg0: i32) -> (i32, i32) {
    %c0_i32 = arith.constant 0 : i32
    %c0_i32_0 = arith.constant 0 : i32
    %c0_i32_1 = arith.constant 0 : i32
    return %c0_i32, %c0_i32_0 : i32, i32
  }
  func.func @transform_2(%arg0: i32) -> (i32, i32) {
    %c0_i32 = arith.constant 0 : i32
    %c0_i32_0 = arith.constant 0 : i32
    %c0_i32_1 = arith.constant 0 : i32
    return %c0_i32, %c0_i32_0 : i32, i32
  }
  func.func @transform_3(%arg0: i32) -> i32 {
    %c0_i32 = arith.constant 0 : i32
    return %arg0 : i32
  }
}

</mosaic_0001>

<sc_bundles>
// kernel: kernel.4.cloned.1.call-start
scs
__scs_entry_jumppad:
0x0: {  	(pc) =	sbr.rel $0x88, $3  }
0x1: {  	(tag) =	ssettag $0x0;
	lr =	simm.s32 $0x1  }
0x2: {  	[smem:$0x3F9D] =	sst lr;
	_ =	strace $0xD0000000  }
0x3: {  	_ = 	snop  }
0x4: {  	_ = 	snop  }
0x5: {  	_ = 	snop  }
0x6: {  	_ = 	snop  }
0x7: {  	_ = 	snop  }
__scs_overlays_trampoline_lowered:
0x8: {  	[smem:$0x3FAC] =	sst s0  }
0x9: {  	[smem:$0x3FAD] =	sst s1  }
0xa: {  	[smem:$0x3FAE] =	sst s2  }
0xb: {  	[smem:$0x3FAF] =	sst s3  }
0xc: {  	[smem:$0x3FB0] =	sst s4  }
0xd: {  	[smem:$0x3FB1] =	sst s5  }
0xe: {  	[smem:$0x3FB2] =	sst s6  }
0xf: {  	[smem:$0x3FB3] =	sst s7  }
0x10: {  	[smem:$0x3FB4] =	sst s8  }
0x11: {  	[smem:$0x3FB5] =	sst s9;
	s0 =	simm.s32 @!p0 $0x0  }
0x12: {  	s1 =	sld [smem:$0x3F9B];
	s0 =	simm.s32 @p0 $0x1  }
0x13: {  	[smem:$0x3FB6] =	sst s0;
	s0 =	simm.s32 @!p1 $0x0  }
0x14: {  	s2 =	sld [smem:$0x3F9A];
	s0 =	simm.s32 @p1 $0x1  }
0x15: {  	[smem:$0x3FB7] =	sst s0;
	s0 =	simm.s32 @!p2 $0x0  }
0x16: {  	s3 =	sld [smem:$0x3FDB];
	s0 =	simm.s32 @p2 $0x1  }
0x17: {  	s4 =	simm.s32 $0x1BF5;
	[smem:$0x3FB9] =	sst s0  }
0x18: {  	s0 =	sld [smem:$0x3F9C];
	_ =	swait.ge [sflag:s4], $0x0  }
0x19: {  	s7 =	sld [smem:$0x3F9D]  }
0x1a: {  	s8 =	sadd.s32 $0xFFFFE003, lr  }
0x1b: {  	s9 =	sadd.s32 $0xFFFFFEF7, lr;
	s5 =	simm.s32 $0xFFFFFFFF;
	p2 =	slt.u32 s8, $0xFFFFF086  }
0x1c: {  	p1 =	slt.u32 s9, $0xF7A;
	s5 =	simm.s32 @!p2 $0x0  }
0x1d: {  	s5 =	simm.s32 @p1 $0x1;
	p0 =	seq.s32 s7, s2  }
0x1e: {  	s7 =	smul.u32 @!p0 $0xF7A, s2;
	p2 =	seq.s32 @!p0 s5, $0x0  }
0x1f: {  	s9 =	smul.u32 $0xF7A, s1;
	s8 =	simm.s32 @!p0 $0x1BF5;
	p2 =	por !p2, p0  }
0x20: {  	[sflag:s8] =	ssyncset.s32 @!p0 $0xFFFFF086;
	s6 =	sadd.s32 @!p0 s3, s7;
	s7 =	simm.s32 @!p0 $0x108  }
0x21: {  	s3 =	sadd.s32 s3, s9;
	s6 =	sadd.s32 @!p0 $0x88, s6;
	s7 =	simm.s32 @p2 $0x1082  }
0x22: {  	[simem:s7], [sflag:s8] =	dma.local @!p0 [hbm:s6], $0xF7A  }
0x23: {  	s9 =	sor.u32 $0xD0000000, s2;
	s6 =	simm.s32 $0x108;
	_ =	swait.ge @!p0 [sflag:s8], $0x0  }
0x24: {  	s3 =	sadd.s32 $0x88, s3;
	s6 =	simm.s32 @!p1 $0x1082;
	[sflag:s4] =	ssyncset.s32 $0xFFFFF086  }
0x25: {  	[simem:s6], [sflag:s4] =	dma.local [hbm:s3], $0xF7A  }
0x26: {  	[smem:$0x3F9D] =	sst s1;
	(tag) =	ssettag s2;
	_ =	strace s9  }
0x27: {  	s1 =	sld [smem:$0x3FAD]  }
0x28: {  	s2 =	sld [smem:$0x3FAE]  }
0x29: {  	s4 =	sld [smem:$0x3FB0]  }
0x2a: {  	p0 =	seq.s32 s5, $0x0;
	s5 =	sld [smem:$0x3FB1]  }
0x2b: {  	s6 =	sld [smem:$0x3FB2]  }
0x2c: {  	s7 =	sld [smem:$0x3FB3]  }
0x2d: {  	s3 =	simm.s32 $0x108;
	s8 =	sld [smem:$0x3FB4]  }
0x2e: {  	s3 =	simm.s32 @!p0 $0x1082;
	s9 =	sld [smem:$0x3FB5]  }
0x2f: {  	lr =	sadd.s32 s0, s3;
	s0 =	sld [smem:$0x3FAC]  }
0x30: {  	s3 =	sld [smem:$0x3FAF]  }
0x31: {  	[smem:$0x3FB8] =	sst s10  }
0x32: {  	s10 =	sld [smem:$0x3FB6];
	_ =	sdelay $0x3  }
0x33: {  	p0 =	seq.s32 s10, $0x1;
	s10 =	sld [smem:$0x3FB8];
	_ =	sdelay $0x3  }
0x34: {  	[smem:$0x3FB8] =	sst s10  }
0x35: {  	s10 =	sld [smem:$0x3FB7];
	_ =	sdelay $0x3  }
0x36: {  	p1 =	seq.s32 s10, $0x1;
	s10 =	sld [smem:$0x3FB8];
	_ =	sdelay $0x3  }
0x37: {  	[smem:$0x3FB8] =	sst s10  }
0x38: {  	s10 =	sld [smem:$0x3FB9]  }
0x39: {  	_ = 	snop;
	(pc) =	sbr.ind lr, $3  }
0x3a: {  	_ = 	snop  }
0x3b: {  	_ = 	snop  }
0x3c: {  	p2 =	seq.s32 s10, $0x1;
	s10 =	sld [smem:$0x3FB8]  }
0x3d: {  	_ =	shalt  }
0x3e: {  	_ =	shalt  }
0x3f: {  	_ =	shalt  }
0x40: {  	_ =	shalt  }
0x41: {  	_ =	shalt  }
0x42: {  	_ =	shalt  }
0x43: {  	_ =	shalt  }
0x44: {  	_ =	shalt  }
0x45: {  	_ =	shalt  }
0x46: {  	_ =	shalt  }
0x47: {  	_ =	shalt  }
0x48: {  	_ =	shalt  }
0x49: {  	_ =	shalt  }
0x4a: {  	_ =	shalt  }
0x4b: {  	_ =	shalt  }
0x4c: {  	_ =	shalt  }
0x4d: {  	_ =	shalt  }
0x4e: {  	_ =	shalt  }
0x4f: {  	_ =	shalt  }
0x50: {  	_ =	shalt  }
0x51: {  	_ =	shalt  }
0x52: {  	_ =	shalt  }
0x53: {  	_ =	shalt  }
0x54: {  	_ =	shalt  }
0x55: {  	_ =	shalt  }
0x56: {  	_ =	shalt  }
0x57: {  	_ =	shalt  }
0x58: {  	_ =	shalt  }
0x59: {  	_ =	shalt  }
0x5a: {  	_ =	shalt  }
0x5b: {  	_ =	shalt  }
0x5c: {  	_ =	shalt  }
0x5d: {  	_ =	shalt  }
0x5e: {  	_ =	shalt  }
0x5f: {  	_ =	shalt  }
0x60: {  	_ =	shalt  }
0x61: {  	_ =	shalt  }
0x62: {  	_ =	shalt  }
0x63: {  	_ =	shalt  }
0x64: {  	_ =	shalt  }
0x65: {  	_ =	shalt  }
0x66: {  	_ =	shalt  }
0x67: {  	_ =	shalt  }
0x68: {  	_ =	shalt  }
0x69: {  	_ =	shalt  }
0x6a: {  	_ =	shalt  }
0x6b: {  	_ =	shalt  }
0x6c: {  	_ =	shalt  }
0x6d: {  	_ =	shalt  }
0x6e: {  	_ =	shalt  }
0x6f: {  	_ =	shalt  }
0x70: {  	_ =	shalt  }
0x71: {  	_ =	shalt  }
0x72: {  	_ =	shalt  }
0x73: {  	_ =	shalt  }
0x74: {  	_ =	shalt  }
0x75: {  	_ =	shalt  }
0x76: {  	_ =	shalt  }
0x77: {  	_ =	shalt  }
0x78: {  	_ =	shalt  }
0x79: {  	_ =	shalt  }
0x7a: {  	_ =	shalt  }
0x7b: {  	_ =	shalt  }
0x7c: {  	_ =	shalt  }
0x7d: {  	_ =	shalt  }
0x7e: {  	_ =	shalt  }
0x7f: {  	_ =	shalt  }
0x80: {  	_ =	shalt  }
0x81: {  	_ =	shalt  }
0x82: {  	_ =	shalt  }
0x83: {  	_ =	shalt  }
0x84: {  	_ =	shalt  }
0x85: {  	_ =	shalt  }
0x86: {  	_ =	shalt  }
0x87: {  	_ =	shalt  }
.Lfunc_end0:
.L_simem_size_0:
called_computation_lowered:
.L_overlay_start_0:
0x88: {  	s2 =	sld [smem:$0x3FD9]  }
0x89: {  	s3 =	sld [smem:$0x3FFE];
	_ =	sdelay $0x1  }
0x8a: {  	s1 =	srdreg.scid  }
0x8b: {  	s0 =	sand.u32 $0x1, s1  }
0x8c: {  	s17 =	sshll.u32 s0, $0xA;
	s2 =	sadd.s32 s3, s2  }
0x8d: {  	s2 =	sadd.s32 s2, s17  }
0x8e: {  	[smem:$0x3FC4] =	sst s2  }
0x8f: {  	_ = 	snop  }
0x90: {  	s2 =	sld [smem:$0x3FC9]  }
0x91: {  	s18 =	sld [smem:$0x3FD0];
	(tm) =	ssettm $0x1  }
0x92: {  	s4 =	sld [smem:$0x3FFB];
	_ =	sdelay $0x3  }
0x93: {  	_ =	strace s4  }
0x94: {  	s4 =	sld [smem:$0x3FFC];
	_ =	sdelay $0x3  }
0x95: {  	_ =	strace s4  }
0x96: {  	s4 =	sld [smem:$0x3FFD];
	_ =	sdelay $0x3  }
0x97: {  	_ =	strace s4  }
0x98: {  	_ =	strace $0x8FFFFFFF  }
0x99: {  	s19 =	sld [smem:$0x3FDB];
	_ =	sdelay $0x1  }
0x9a: {  	s5 =	simm.s32 $_scs_section_size  }
0x9b: {  	s6 =	simm.s32 $_size__tile_overlayer_lowered;
	s7 =	simm.s32 $_tile_overlayer_lowered  }
0x9c: {  	s22 =	simm.s32 $0x1BFF;
	s21 =	sshll.u32 s7, $0x1;
	s4 =	sadd.s32 s5, s19  }
0x9d: {  	s8 =	simm.s32 $0x0;
	s20 =	sshll.u32 s6, $0x1;
	s6 =	sadd.s32 s21, s4  }
0x9e: {  	[timem:s8], [sflag:s22] =	dma.local [hbm:s6], s20  }
0x9f: {  	_ =	swait.ge [sflag:s22], s20  }
0xa0: {  	s5 =	ssub.s32 $0x0, s20;
	[sflag:s22] =	ssyncset.done $0x0  }
0xa1: {  	[sflag:s22] =	ssyncadd.s32 s5;
	_ =	sdelay $0x1  }
0xa2: {  	s23 =	simm.s32 $0x1B8B  }
0xa3: {  	_ =	swait.ge [sflag:s23], $0x1  }
0xa4: {  	[sflag:s23] =	ssyncset.done $0x0  }
0xa5: {  	s25 =	simm.s32 $0x1B8E;
	s24 =	sld [smem:$0x3FFE];
	[sflag:s23] =	ssyncadd.s32 $0xFFFFFFFF  }
0xa6: {  	s26 =	simm.s32 $execute0_lowered;
	[smem:$0x3FD2] =	sst s25  }
0xa7: {  	s6 =	sshll.u32 s26, $0x1;
	_ =	strace $0x80000046;
	[dreg:$0x1] =	wrdreg $0xFFFFFFFF  }
0xa8: {  	s28 =	simm.s32 $_size_execute0_lowered;
	s4 =	sadd.s32 s4, s6;
	[dreg:$0x0] =	wrdreg $0x0  }
0xa9: {  	s6 =	sshll.u32 s28, $0x1;
	[dreg:$0x2] =	wrdreg s4  }
0xaa: {  	[dreg:$0x3] =	wrdreg s6  }
0xab: {  	[dreg:$0x4] =	wrdreg $0xC0  }
0xac: {  	_ =	task [dreg:s8], $0x5FFFF  }
0xad: {  	[dreg:$0x1] =	wrdreg $0xFFFFFFFF  }
0xae: {  	[dreg:$0x0] =	wrdreg $0x60  }
0xaf: {  	[dreg:$0x2] =	wrdreg s24  }
0xb0: {  	[dreg:$0x3] =	wrdreg s2  }
0xb1: {  	[dreg:$0x4] =	wrdreg s18  }
0xb2: {  	[dreg:$0x5] =	wrdreg $0x0  }
0xb3: {  	[dreg:$0x6] =	wrdreg $0x9  }
0xb4: {  	_ =	task.clear_ibuf [dreg:s8], $0x7FFFF;
	_ =	strace $0x90000046  }
0xb5: {  	s29 =	simm.s32 $0x9;
	_ =	strace $0x80000048  }
0xb6: {  	_ =	swait.ge [sflag:s29], $0x1  }
0xb7: {  	[sflag:s29] =	ssyncadd.s32 $0xFFFFFFFF  }
0xb8: {  	_ =	strace $0x90000048  }
0xb9: {  	_ =	sfence  }
0xba: {  	s30 =	sld [smem:$0x0];
	_ =	sdelay $0x2  }
0xbb: {  	s31 =	sshll.u32 s1, $0xD;
	s1 =	sshrl.u32 s1, $0x2  }
0xbc: {  	s3 =	sand.u32 $0x4000, s31;
	s1 =	sadd.s32 s1, s30  }
0xbd: {  	s0 =	sor.u32 s3, s0;
	s1 =	sshll.u32 s1, $0x11  }
0xbe: {  	s0 =	sor.u32 s1, s0  }
0xbf: {  	s0 =	sadd.s32 $0x8F2B, s0  }
0xc0: {  	[sflag:s0] =	ssyncadd.remote.s32 $0x1  }
0xc1: {  	_ =	sfence.sel $0xFFFF  }
0xc2: {  	[dreg:$0x0] =	wrdreg $0xFFFFFFFF;
	(pc) =	sbr.abs _section_cstart, $3  }
0xc3: {  	[dreg:$0x1] =	wrdreg $0xFFFFFFFF  }
0xc4: {  	_ =	task.clear_ibuf [dreg:s8], $0x2FFFF;
	_ =	strace $0x9FFFFFFF  }
0xc5: {  	(tm) =	ssettm $0x7FFFFFFF  }
tec
execute0_lowered:
.L_overlay_start_1:
0x0: {  	(tag) =	ssettag $0x1  }
0x1: {  	s1 =	rddreg [dreg:$0x0]  }
0x2: {  	s4 =	rddreg [dreg:$0x1]  }
0x3: {  	s0 =	rddreg [dreg:$0x2]  }
0x4: {  	s3 =	rddreg [dreg:$0x3]  }
0x5: {  	s9 =	stileid.u32;
	s2 =	srdreg.scid  }
0x6: {  	s5 =	smul.u32 $0xF800, s9;
	s7 =	sand.u32 $0x1, s2;
	s6 =	sshll.u32 s9, $0x1  }
0x7: {  	s2 =	simm.s32 $0x0;
	s14 =	sshll.u32 s9, $0x6;
	s6 =	sor.u32 s7, s6  }
0x8: {  	[smem:$0x7FF] =	sst s2;
	s8 =	sshrl.u32 s5, $0x3;
	s6 =	smul.u32 $0x19000, s6  }
0x9: {  	s15 =	sor.u32 $0x1C01, s14;
	_ =	strace $0x80000047;
	s1 =	sadd.s32 s8, s1  }
0xa: {  	[dreg:$0x6] =	wrdreg s15;
	s1 =	sadd.s32 $0x600, s1;
	s6 =	sshrl.u32 s6, $0x3  }
0xb: {  	[dreg:$0x5] =	wrdreg s1;
	s16 =	sadd.s32 s4, s6  }
0xc: {  	s22 =	sadd.s32 s0, s6;
	[dreg:$0x7] =	wrdreg s16  }
0xd: {  	s17 =	sadd.s32 $0x200, s6;
	[dreg:$0xb] =	wrdreg s22  }
0xe: {  	s19 =	sadd.s32 $0x400, s6;
	s18 =	sadd.s32 s4, s17;
	s1 =	rddreg [dreg:$0x5]  }
0xf: {  	s10 =	sadd.s32 $0x600, s6;
	s20 =	sadd.s32 s4, s19;
	[dreg:$0x8] =	wrdreg s18  }
0x10: {  	s11 =	sadd.s32 $0x800, s6;
	s21 =	sadd.s32 s4, s10;
	[dreg:$0x9] =	wrdreg s20  }
0x11: {  	s23 =	sadd.s32 s4, s11;
	[dreg:$0xa] =	wrdreg s21  }
0x12: {  	s25 =	sadd.s32 $0xA00, s6;
	s24 =	sadd.s32 s0, s17;
	[dreg:$0xc] =	wrdreg s23  }
0x13: {  	s26 =	sadd.s32 s4, s25;
	[dreg:$0xd] =	wrdreg s24  }
0x14: {  	s13 =	sadd.s32 $0xC00, s6;
	s12 =	sadd.s32 s0, s19;
	[dreg:$0xe] =	wrdreg s26  }
0x15: {  	s14 =	sadd.s32 s4, s13;
	[dreg:$0xf] =	wrdreg s12  }
0x16: {  	s15 =	sadd.s32 s0, s10;
	s16 =	sadd.s32 $0xE00, s6;
	[dreg:$0x10] =	wrdreg s14  }
0x17: {  	[dreg:$0x11] =	wrdreg s15;
	s17 =	sadd.s32 s4, s16  }
0x18: {  	s19 =	sadd.s32 $0x1000, s6;
	s18 =	sadd.s32 s0, s11;
	[dreg:$0x12] =	wrdreg s17  }
0x19: {  	s20 =	sadd.s32 s4, s19;
	[dreg:$0x13] =	wrdreg s18  }
0x1a: {  	s22 =	sadd.s32 $0x1200, s6;
	s21 =	sadd.s32 s0, s25;
	[dreg:$0x14] =	wrdreg s20  }
0x1b: {  	s23 =	sadd.s32 s4, s22;
	[dreg:$0x15] =	wrdreg s21  }
0x1c: {  	s31 =	simm.s32 $0x1;
	s24 =	sadd.s32 s0, s13;
	[dreg:$0x16] =	wrdreg s23  }
0x1d: {  	p0 =	por $0x0, $0x0;
	s12 =	sadd.s32 s0, s16;
	[dreg:$0x17] =	wrdreg s24  }
0x1e: {  	s25 =	sadd.s32 $0x1400, s6;
	s15 =	sadd.s32 s0, s19;
	[dreg:$0x19] =	wrdreg s12  }
0x1f: {  	s13 =	sadd.s32 $0x1600, s6;
	s26 =	sadd.s32 s4, s25;
	[dreg:$0x1b] =	wrdreg s15  }
0x20: {  	s16 =	sadd.s32 $0x1800, s6;
	s14 =	sadd.s32 s4, s13;
	[dreg:$0x18] =	wrdreg s26  }
0x21: {  	s7 =	ssub.s32 $0x2, s7;
	s17 =	sadd.s32 s4, s16;
	[dreg:$0x1a] =	wrdreg s14  }
0x22: {  	s19 =	sadd.s32 $0x1A00, s6;
	s18 =	sadd.s32 s0, s22;
	[dreg:$0x1c] =	wrdreg s17  }
0x23: {  	s8 =	simm.s32 $0x7;
	s20 =	sadd.s32 s4, s19;
	[dreg:$0x1d] =	wrdreg s18  }
0x24: {  	s10 =	simm.s32 $0x1000;
	s21 =	sadd.s32 s0, s25;
	[dreg:$0x1e] =	wrdreg s20  }
0x25: {  	s11 =	simm.s32 $0x5;
	s24 =	sadd.s32 s0, s13;
	[dreg:$0x1f] =	wrdreg s21  }
0x26: {  	s22 =	sadd.s32 $0x1C00, s6;
	s12 =	sadd.s32 s0, s16;
	[smem:$0x7F2] =	sst s24  }
0x27: {  	s25 =	sadd.s32 $0x1E00, s6;
	s15 =	sadd.s32 s0, s19;
	[smem:$0x7F4] =	sst s12  }
0x28: {  	s13 =	sadd.s32 $0x2000, s6;
	s23 =	sadd.s32 s4, s22;
	[smem:$0x7F6] =	sst s15  }
0x29: {  	s16 =	sadd.s32 $0x2200, s6;
	s26 =	sadd.s32 s4, s25;
	[smem:$0x7F1] =	sst s23  }
0x2a: {  	s19 =	sadd.s32 $0x2400, s6;
	s14 =	sadd.s32 s4, s13;
	[smem:$0x7F3] =	sst s26  }
0x2b: {  	s17 =	sadd.s32 s4, s16;
	s18 =	sadd.s32 s0, s22;
	[smem:$0x7F5] =	sst s14  }
0x2c: {  	s20 =	sadd.s32 s4, s19;
	s21 =	sadd.s32 s0, s25;
	[smem:$0x7F7] =	sst s17  }
0x2d: {  	s22 =	sadd.s32 $0x2600, s6;
	s24 =	sadd.s32 s0, s13;
	[smem:$0x7F8] =	sst s18  }
0x2e: {  	s25 =	sadd.s32 $0x2800, s6;
	s12 =	sshrl.u32 s7, $0x1;
	[smem:$0x7F9] =	sst s20  }
0x2f: {  	s29 =	sadd.s32 s0, s16;
	s28 =	sadd.s32 s0, s19;
	[smem:$0x7FA] =	sst s21  }
0x30: {  	s23 =	sadd.s32 s4, s22;
	[smem:$0x7FC] =	sst s24;
	s13 =	sadd.s32 s4, s25  }
0x31: {  	s7 =	ssub.s32 s7, s12;
	s14 =	sadd.s32 s5, s3;
	s17 =	sadd.s32 $0x2A00, s6  }
0x32: {  	s18 =	sadd.s32 $0x2C00, s6;
	s24 =	sadd.s32 s0, s22;
	s21 =	sadd.s32 $0x2E00, s6  }
0x33: {  	s6 =	sadd.s32 $0x3000, s6;
	s20 =	sadd.s32 s0, s25;
	[smem:$0x7FB] =	sst s23  }
0x34: {  	s25 =	simm.s32 $0x3;
	s12 =	simm.s32 $0x8;
	[smem:$0x7FD] =	sst s13  }
0x35: {  	s26 =	sadd.s32 s4, s17;
	s23 =	sadd.s32 s4, s18;
	s22 =	smax.u32 s7, $0x1  }
0x36: {  	s19 =	sadd.s32 s4, s21;
	s15 =	sadd.s32 s4, s6;
	p1 =	sne.s32 s22, $0x1  }
.Ltmp0:
0x37: {  	s16 =	sadd.s32 s0, s17;
	s9 =	sadd.s32 s0, s18;
	(pc) =	sbr.rel @!p1 .LBB2_5-.Ltmp0, $4  }
0x38: {  	s5 =	sadd.s32 s0, s21;
	s4 =	sadd.s32 s0, s6;
	s30 =	sshrl.u32 s14, $0x3  }
0x39: {  	s7 =	simm.s32 $0xF800;
	s21 =	simm.s32 $0x10800;
	s18 =	simm.s32 $0x11800  }
0x3a: {  	s14 =	simm.s32 $0x2;
	s6 =	simm.s32 $0x12800;
	s13 =	simm.s32 $0x13800  }
0x3b: {  	s17 =	simm.s32 $0x6;
	s0 =	sadd.s32 $0xFFFFFFFF, s22;
	s22 =	simm.s32 $0x4  }
0x3c: {  	[smem:$0x7EF] =	sst s0  }
0x3d: {  	s0 =	rddreg [dreg:$0x6]  }
0x3e: {  	[spmem:s30], [sflag:s0] =	dma.local [hbm:s1], $0x1F00  }
0x3f: {  	s0 =	rddreg [dreg:$0x7]  }
0x40: {  	[tilespmem:s7], [sflag:$0x2] =	stream.linear.gather [hbm4b:s0+s2], $0x1000, $0x38;
	[tilespmem:$0x14800] =	vst v63  }
0x41: {  	s1 =	rddreg [dreg:$0x8]  }
0x42: {  	[tilespmem:s21], [sflag:$0x3] =	stream.linear.gather [hbm4b:s1+s2], $0x1000, $0x38;
	[tilespmem:$0x14800] =	vst v63  }
0x43: {  	s0 =	rddreg [dreg:$0x9]  }
0x44: {  	[tilespmem:s18], [sflag:$0x4] =	stream.linear.gather [hbm4b:s0+s2], $0x1000, $0x38;
	[tilespmem:$0x14800] =	vst v63  }
0x45: {  	_ =	swait.ge [sflag:s31], $0x1F00  }
0x46: {  	[sflag:s31] =	ssyncset.done $0x0  }
0x47: {  	[sflag:s31] =	ssyncadd.s32 $0xFFFFE100  }
0x48: {  	[bflag:$0x0] =	sbarrier.arrive $0xFFFF  }
0x49: {  	_ =	swait.ge [sflag:s14], $0x1000  }
0x4a: {  	[sflag:s14] =	ssyncset.done $0x0  }
0x4b: {  	[sflag:s14] =	ssyncadd.s32 $0xFFFFF000  }
0x4c: {  	[tilespmem:s6], [sflag:$0x5] =	stream.indirect.gather [spmem:s3], $0x1, s7, s10, $0xb8;
	[tilespmem:$0x14800] =	vst v63  }
0x4d: {  	_ =	swait.ge [sflag:s25], $0x1000  }
0x4e: {  	[sflag:s25] =	ssyncset.done $0x0  }
0x4f: {  	[sflag:s25] =	ssyncadd.s32 $0xFFFFF000  }
0x50: {  	[tilespmem:s13], [sflag:$0x6] =	stream.indirect.gather [spmem:s3], $0x1, s21, s10, $0xb8;
	[tilespmem:$0x14800] =	vst v63  }
0x51: {  	_ =	swait.ge [sflag:s11], $0x1000  }
0x52: {  	[sflag:s11] =	ssyncset.done $0x0  }
0x53: {  	s1 =	rddreg [dreg:$0xa];
	[sflag:s11] =	ssyncadd.s32 $0xFFFFF000  }
0x54: {  	[tilespmem:s7], [sflag:$0x2] =	stream.linear.gather [hbm4b:s1+s2], $0x1000, $0x38;
	[tilespmem:$0x14800] =	vst v63  }
0x55: {  	s31 =	rddreg [dreg:$0xb]  }
0x56: {  	[hbm4b:s31+s2] =	stream.linear.scatter [tilespmem:s6], [sflag:$0x7], $0x1000, $0x38;
	[tilespmem:$0x14800] =	vst v63  }
0x57: {  	_ =	swait.ge [sflag:s22], $0x1000  }
0x58: {  	[sflag:s22] =	ssyncset.done $0x0  }
0x59: {  	[sflag:s22] =	ssyncadd.s32 $0xFFFFF000  }
0x5a: {  	_ =	swait.ge [sflag:s8], $0x1000  }
0x5b: {  	[sflag:s8] =	ssyncset.done $0x0  }
0x5c: {  	[sflag:s8] =	ssyncadd.s32 $0xFFFFF000  }
0x5d: {  	[tilespmem:s6], [sflag:$0x5] =	stream.indirect.gather [spmem:s3], $0x1, s18, s10, $0xb8;
	[tilespmem:$0x14800] =	vst v63  }
0x5e: {  	_ =	swait.ge [sflag:s17], $0x1000  }
0x5f: {  	[sflag:s17] =	ssyncset.done $0x0  }
0x60: {  	s1 =	rddreg [dreg:$0xc];
	[sflag:s17] =	ssyncadd.s32 $0xFFFFF000  }
0x61: {  	[tilespmem:s21], [sflag:$0x3] =	stream.linear.gather [hbm4b:s1+s2], $0x1000, $0x38;
	[tilespmem:$0x14800] =	vst v63  }
0x62: {  	s31 =	rddreg [dreg:$0xd]  }
0x63: {  	[hbm4b:s31+s2] =	stream.linear.scatter [tilespmem:s13], [sflag:$0x8], $0x1000, $0x38;
	[tilespmem:$0x14800] =	vst v63  }
0x64: {  	_ =	swait.ge [sflag:s14], $0x1000  }
0x65: {  	[sflag:s14] =	ssyncset.done $0x0  }
0x66: {  	[sflag:s14] =	ssyncadd.s32 $0xFFFFF000  }
0x67: {  	_ =	swait.ge [sflag:s12], $0x1000  }
0x68: {  	[sflag:s12] =	ssyncset.done $0x0  }
0x69: {  	[sflag:s12] =	ssyncadd.s32 $0xFFFFF000  }
0x6a: {  	[tilespmem:s13], [sflag:$0x6] =	stream.indirect.gather [spmem:s3], $0x1, s7, s10, $0xb8;
	[tilespmem:$0x14800] =	vst v63  }
0x6b: {  	_ =	swait.ge [sflag:s11], $0x1000  }
0x6c: {  	[sflag:s11] =	ssyncset.done $0x0  }
0x6d: {  	s1 =	rddreg [dreg:$0xe];
	[sflag:s11] =	ssyncadd.s32 $0xFFFFF000  }
0x6e: {  	[tilespmem:s18], [sflag:$0x4] =	stream.linear.gather [hbm4b:s1+s2], $0x1000, $0x38;
	[tilespmem:$0x14800] =	vst v63  }
0x6f: {  	s31 =	rddreg [dreg:$0xf]  }
0x70: {  	[hbm4b:s31+s2] =	stream.linear.scatter [tilespmem:s6], [sflag:$0x7], $0x1000, $0x38;
	[tilespmem:$0x14800] =	vst v63  }
0x71: {  	_ =	swait.ge [sflag:s25], $0x1000  }
0x72: {  	[sflag:s25] =	ssyncset.done $0x0  }
0x73: {  	[sflag:s25] =	ssyncadd.s32 $0xFFFFF000  }
0x74: {  	_ =	swait.ge [sflag:s8], $0x1000  }
0x75: {  	[sflag:s8] =	ssyncset.done $0x0  }
0x76: {  	[sflag:s8] =	ssyncadd.s32 $0xFFFFF000  }
0x77: {  	[tilespmem:s6], [sflag:$0x5] =	stream.indirect.gather [spmem:s3], $0x1, s21, s10, $0xb8;
	[tilespmem:$0x14800] =	vst v63  }
0x78: {  	_ =	swait.ge [sflag:s17], $0x1000  }
0x79: {  	[sflag:s17] =	ssyncset.done $0x0  }
0x7a: {  	s1 =	rddreg [dreg:$0x10];
	[sflag:s17] =	ssyncadd.s32 $0xFFFFF000  }
0x7b: {  	[tilespmem:s7], [sflag:$0x2] =	stream.linear.gather [hbm4b:s1+s2], $0x1000, $0x38;
	[tilespmem:$0x14800] =	vst v63  }
0x7c: {  	s31 =	rddreg [dreg:$0x11]  }
0x7d: {  	[hbm4b:s31+s2] =	stream.linear.scatter [tilespmem:s13], [sflag:$0x8], $0x1000, $0x38;
	[tilespmem:$0x14800] =	vst v63  }
0x7e: {  	_ =	swait.ge [sflag:s22], $0x1000  }
0x7f: {  	[sflag:s22] =	ssyncset.done $0x0  }
0x80: {  	[sflag:s22] =	ssyncadd.s32 $0xFFFFF000  }
0x81: {  	_ =	swait.ge [sflag:s12], $0x1000  }
0x82: {  	[sflag:s12] =	ssyncset.done $0x0  }
0x83: {  	[sflag:s12] =	ssyncadd.s32 $0xFFFFF000  }
0x84: {  	[tilespmem:s13], [sflag:$0x6] =	stream.indirect.gather [spmem:s3], $0x1, s18, s10, $0xb8;
	[tilespmem:$0x14800] =	vst v63  }
0x85: {  	_ =	swait.ge [sflag:s11], $0x1000  }
0x86: {  	[sflag:s11] =	ssyncset.done $0x0  }
0x87: {  	s1 =	rddreg [dreg:$0x12];
	[sflag:s11] =	ssyncadd.s32 $0xFFFFF000  }
0x88: {  	[tilespmem:s21], [sflag:$0x3] =	stream.linear.gather [hbm4b:s1+s2], $0x1000, $0x38;
	[tilespmem:$0x14800] =	vst v63  }
0x89: {  	s31 =	rddreg [dreg:$0x13]  }
0x8a: {  	[hbm4b:s31+s2] =	stream.linear.scatter [tilespmem:s6], [sflag:$0x7], $0x1000, $0x38;
	[tilespmem:$0x14800] =	vst v63  }
0x8b: {  	_ =	swait.ge [sflag:s14], $0x1000  }
0x8c: {  	[sflag:s14] =	ssyncset.done $0x0  }
0x8d: {  	[sflag:s14] =	ssyncadd.s32 $0xFFFFF000  }
0x8e: {  	_ =	swait.ge [sflag:s8], $0x1000  }
0x8f: {  	[sflag:s8] =	ssyncset.done $0x0  }
0x90: {  	[sflag:s8] =	ssyncadd.s32 $0xFFFFF000  }
0x91: {  	[tilespmem:s6], [sflag:$0x5] =	stream.indirect.gather [spmem:s3], $0x1, s7, s10, $0xb8;
	[tilespmem:$0x14800] =	vst v63  }
0x92: {  	_ =	swait.ge [sflag:s17], $0x1000  }
0x93: {  	[sflag:s17] =	ssyncset.done $0x0  }
0x94: {  	s1 =	rddreg [dreg:$0x14];
	[sflag:s17] =	ssyncadd.s32 $0xFFFFF000  }
0x95: {  	[tilespmem:s18], [sflag:$0x4] =	stream.linear.gather [hbm4b:s1+s2], $0x1000, $0x38;
	[tilespmem:$0x14800] =	vst v63  }
0x96: {  	s31 =	rddreg [dreg:$0x15]  }
0x97: {  	[hbm4b:s31+s2] =	stream.linear.scatter [tilespmem:s13], [sflag:$0x8], $0x1000, $0x38;
	[tilespmem:$0x14800] =	vst v63  }
0x98: {  	_ =	swait.ge [sflag:s25], $0x1000  }
0x99: {  	[sflag:s25] =	ssyncset.done $0x0  }
0x9a: {  	[sflag:s25] =	ssyncadd.s32 $0xFFFFF000  }
0x9b: {  	_ =	swait.ge [sflag:s12], $0x1000  }
0x9c: {  	[sflag:s12] =	ssyncset.done $0x0  }
0x9d: {  	[sflag:s12] =	ssyncadd.s32 $0xFFFFF000  }
0x9e: {  	[tilespmem:s13], [sflag:$0x6] =	stream.indirect.gather [spmem:s3], $0x1, s21, s10, $0xb8;
	[tilespmem:$0x14800] =	vst v63  }
0x9f: {  	_ =	swait.ge [sflag:s11], $0x1000  }
0xa0: {  	[sflag:s11] =	ssyncset.done $0x0  }
0xa1: {  	s1 =	rddreg [dreg:$0x16];
	[sflag:s11] =	ssyncadd.s32 $0xFFFFF000  }
0xa2: {  	[tilespmem:s7], [sflag:$0x2] =	stream.linear.gather [hbm4b:s1+s2], $0x1000, $0x38;
	[tilespmem:$0x14800] =	vst v63  }
0xa3: {  	s31 =	rddreg [dreg:$0x17]  }
0xa4: {  	[hbm4b:s31+s2] =	stream.linear.scatter [tilespmem:s6], [sflag:$0x7], $0x1000, $0x38;
	[tilespmem:$0x14800] =	vst v63  }
0xa5: {  	_ =	swait.ge [sflag:s22], $0x1000  }
0xa6: {  	[sflag:s22] =	ssyncset.done $0x0  }
0xa7: {  	[sflag:s22] =	ssyncadd.s32 $0xFFFFF000  }
0xa8: {  	_ =	swait.ge [sflag:s8], $0x1000  }
0xa9: {  	[sflag:s8] =	ssyncset.done $0x0  }
0xaa: {  	[sflag:s8] =	ssyncadd.s32 $0xFFFFF000  }
0xab: {  	[tilespmem:s6], [sflag:$0x5] =	stream.indirect.gather [spmem:s3], $0x1, s18, s10, $0xb8;
	[tilespmem:$0x14800] =	vst v63  }
0xac: {  	_ =	swait.ge [sflag:s17], $0x1000  }
0xad: {  	[sflag:s17] =	ssyncset.done $0x0  }
0xae: {  	s1 =	rddreg [dreg:$0x18];
	[sflag:s17] =	ssyncadd.s32 $0xFFFFF000  }
0xaf: {  	[tilespmem:s21], [sflag:$0x3] =	stream.linear.gather [hbm4b:s1+s2], $0x1000, $0x38;
	[tilespmem:$0x14800] =	vst v63  }
0xb0: {  	s31 =	rddreg [dreg:$0x19]  }
0xb1: {  	[hbm4b:s31+s2] =	stream.linear.scatter [tilespmem:s13], [sflag:$0x8], $0x1000, $0x38;
	[tilespmem:$0x14800] =	vst v63  }
0xb2: {  	_ =	swait.ge [sflag:s14], $0x1000  }
0xb3: {  	[sflag:s14] =	ssyncset.done $0x0  }
0xb4: {  	[sflag:s14] =	ssyncadd.s32 $0xFFFFF000  }
0xb5: {  	_ =	swait.ge [sflag:s12], $0x1000  }
0xb6: {  	[sflag:s12] =	ssyncset.done $0x0  }
0xb7: {  	[sflag:s12] =	ssyncadd.s32 $0xFFFFF000  }
0xb8: {  	[tilespmem:s13], [sflag:$0x6] =	stream.indirect.gather [spmem:s3], $0x1, s7, s10, $0xb8;
	[tilespmem:$0x14800] =	vst v63  }
0xb9: {  	_ =	swait.ge [sflag:s11], $0x1000  }
0xba: {  	[sflag:s11] =	ssyncset.done $0x0  }
0xbb: {  	s1 =	rddreg [dreg:$0x1a];
	[sflag:s11] =	ssyncadd.s32 $0xFFFFF000  }
0xbc: {  	[tilespmem:s18], [sflag:$0x4] =	stream.linear.gather [hbm4b:s1+s2], $0x1000, $0x38;
	[tilespmem:$0x14800] =	vst v63  }
0xbd: {  	s31 =	rddreg [dreg:$0x1b]  }
0xbe: {  	[hbm4b:s31+s2] =	stream.linear.scatter [tilespmem:s6], [sflag:$0x7], $0x1000, $0x38;
	[tilespmem:$0x14800] =	vst v63  }
0xbf: {  	_ =	swait.ge [sflag:s25], $0x1000  }
0xc0: {  	[sflag:s25] =	ssyncset.done $0x0  }
0xc1: {  	[sflag:s25] =	ssyncadd.s32 $0xFFFFF000  }
0xc2: {  	_ =	swait.ge [sflag:s8], $0x1000  }
0xc3: {  	[sflag:s8] =	ssyncset.done $0x0  }
0xc4: {  	[sflag:s8] =	ssyncadd.s32 $0xFFFFF000  }
0xc5: {  	[tilespmem:s6], [sflag:$0x5] =	stream.indirect.gather [spmem:s3], $0x1, s21, s10, $0xb8;
	[tilespmem:$0x14800] =	vst v63  }
0xc6: {  	_ =	swait.ge [sflag:s17], $0x1000  }
0xc7: {  	[sflag:s17] =	ssyncset.done $0x0  }
0xc8: {  	s1 =	rddreg [dreg:$0x1c];
	[sflag:s17] =	ssyncadd.s32 $0xFFFFF000  }
0xc9: {  	[tilespmem:s7], [sflag:$0x2] =	stream.linear.gather [hbm4b:s1+s2], $0x1000, $0x38;
	[tilespmem:$0x14800] =	vst v63  }
0xca: {  	s31 =	rddreg [dreg:$0x1d]  }
0xcb: {  	[hbm4b:s31+s2] =	stream.linear.scatter [tilespmem:s13], [sflag:$0x8], $0x1000, $0x38;
	[tilespmem:$0x14800] =	vst v63  }
0xcc: {  	_ =	swait.ge [sflag:s22], $0x1000  }
0xcd: {  	[sflag:s22] =	ssyncset.done $0x0  }
0xce: {  	[sflag:s22] =	ssyncadd.s32 $0xFFFFF000  }
0xcf: {  	_ =	swait.ge [sflag:s12], $0x1000  }
0xd0: {  	[sflag:s12] =	ssyncset.done $0x0  }
0xd1: {  	[sflag:s12] =	ssyncadd.s32 $0xFFFFF000  }
0xd2: {  	[tilespmem:s13], [sflag:$0x6] =	stream.indirect.gather [spmem:s3], $0x1, s18, s10, $0xb8;
	[tilespmem:$0x14800] =	vst v63  }
0xd3: {  	_ =	swait.ge [sflag:s11], $0x1000  }
0xd4: {  	[sflag:s11] =	ssyncset.done $0x0  }
0xd5: {  	s1 =	rddreg [dreg:$0x1e];
	[sflag:s11] =	ssyncadd.s32 $0xFFFFF000  }
0xd6: {  	[tilespmem:s21], [sflag:$0x3] =	stream.linear.gather [hbm4b:s1+s2], $0x1000, $0x38;
	[tilespmem:$0x14800] =	vst v63  }
0xd7: {  	s31 =	rddreg [dreg:$0x1f]  }
0xd8: {  	[hbm4b:s31+s2] =	stream.linear.scatter [tilespmem:s6], [sflag:$0x7], $0x1000, $0x38;
	[tilespmem:$0x14800] =	vst v63  }
0xd9: {  	_ =	swait.ge [sflag:s14], $0x1000  }
0xda: {  	[sflag:s14] =	ssyncset.done $0x0  }
0xdb: {  	[sflag:s14] =	ssyncadd.s32 $0xFFFFF000  }
0xdc: {  	_ =	swait.ge [sflag:s8], $0x1000  }
0xdd: {  	[sflag:s8] =	ssyncset.done $0x0  }
0xde: {  	[sflag:s8] =	ssyncadd.s32 $0xFFFFF000  }
0xdf: {  	[tilespmem:s6], [sflag:$0x5] =	stream.indirect.gather [spmem:s3], $0x1, s7, s10, $0xb8;
	[tilespmem:$0x14800] =	vst v63  }
0xe0: {  	_ =	swait.ge [sflag:s17], $0x1000  }
0xe1: {  	s1 =	sld [smem:$0x7F1]  }
0xe2: {  	[sflag:s17] =	ssyncset.done $0x0  }
0xe3: {  	s31 =	sld [smem:$0x7F2];
	[sflag:s17] =	ssyncadd.s32 $0xFFFFF000  }
0xe4: {  	[tilespmem:s18], [sflag:$0x4] =	stream.linear.gather [hbm4b:s1+s2], $0x1000, $0x38;
	[tilespmem:$0x14800] =	vst v63  }
0xe5: {  	_ = 	snop  }
0xe6: {  	[hbm4b:s31+s2] =	stream.linear.scatter [tilespmem:s13], [sflag:$0x8], $0x1000, $0x38;
	[tilespmem:$0x14800] =	vst v63  }
0xe7: {  	_ =	swait.ge [sflag:s25], $0x1000  }
0xe8: {  	[sflag:s25] =	ssyncset.done $0x0  }
0xe9: {  	[sflag:s25] =	ssyncadd.s32 $0xFFFFF000  }
0xea: {  	_ =	swait.ge [sflag:s12], $0x1000  }
0xeb: {  	[sflag:s12] =	ssyncset.done $0x0  }
0xec: {  	[sflag:s12] =	ssyncadd.s32 $0xFFFFF000  }
0xed: {  	[tilespmem:s13], [sflag:$0x6] =	stream.indirect.gather [spmem:s3], $0x1, s21, s10, $0xb8;
	[tilespmem:$0x14800] =	vst v63  }
0xee: {  	_ =	swait.ge [sflag:s11], $0x1000  }
0xef: {  	s1 =	sld [smem:$0x7F3]  }
0xf0: {  	[sflag:s11] =	ssyncset.done $0x0  }
0xf1: {  	s31 =	sld [smem:$0x7F4];
	[sflag:s11] =	ssyncadd.s32 $0xFFFFF000  }
0xf2: {  	[tilespmem:s7], [sflag:$0x2] =	stream.linear.gather [hbm4b:s1+s2], $0x1000, $0x38;
	[tilespmem:$0x14800] =	vst v63  }
0xf3: {  	_ = 	snop  }
0xf4: {  	[hbm4b:s31+s2] =	stream.linear.scatter [tilespmem:s6], [sflag:$0x7], $0x1000, $0x38;
	[tilespmem:$0x14800] =	vst v63  }
0xf5: {  	_ =	swait.ge [sflag:s22], $0x1000  }
0xf6: {  	[sflag:s22] =	ssyncset.done $0x0  }
0xf7: {  	[sflag:s22] =	ssyncadd.s32 $0xFFFFF000  }
0xf8: {  	_ =	swait.ge [sflag:s8], $0x1000  }
0xf9: {  	[sflag:s8] =	ssyncset.done $0x0  }
0xfa: {  	[sflag:s8] =	ssyncadd.s32 $0xFFFFF000  }
0xfb: {  	[tilespmem:s6], [sflag:$0x5] =	stream.indirect.gather [spmem:s3], $0x1, s18, s10, $0xb8;
	[tilespmem:$0x14800] =	vst v63  }
0xfc: {  	_ =	swait.ge [sflag:s17], $0x1000  }
0xfd: {  	s1 =	sld [smem:$0x7F5]  }
0xfe: {  	[sflag:s17] =	ssyncset.done $0x0  }
0xff: {  	s31 =	sld [smem:$0x7F6];
	[sflag:s17] =	ssyncadd.s32 $0xFFFFF000  }
0x100: {  	[tilespmem:s21], [sflag:$0x3] =	stream.linear.gather [hbm4b:s1+s2], $0x1000, $0x38;
	[tilespmem:$0x14800] =	vst v63  }
0x101: {  	_ = 	snop  }
0x102: {  	[hbm4b:s31+s2] =	stream.linear.scatter [tilespmem:s13], [sflag:$0x8], $0x1000, $0x38;
	[tilespmem:$0x14800] =	vst v63  }
0x103: {  	_ =	swait.ge [sflag:s14], $0x1000  }
0x104: {  	[sflag:s14] =	ssyncset.done $0x0  }
0x105: {  	[sflag:s14] =	ssyncadd.s32 $0xFFFFF000  }
0x106: {  	_ =	swait.ge [sflag:s12], $0x1000  }
0x107: {  	[sflag:s12] =	ssyncset.done $0x0  }
0x108: {  	[sflag:s12] =	ssyncadd.s32 $0xFFFFF000  }
0x109: {  	[tilespmem:s13], [sflag:$0x6] =	stream.indirect.gather [spmem:s3], $0x1, s7, s10, $0xb8;
	[tilespmem:$0x14800] =	vst v63  }
0x10a: {  	_ =	swait.ge [sflag:s11], $0x1000  }
0x10b: {  	s1 =	sld [smem:$0x7F7]  }
0x10c: {  	[sflag:s11] =	ssyncset.done $0x0  }
0x10d: {  	s31 =	sld [smem:$0x7F8];
	[sflag:s11] =	ssyncadd.s32 $0xFFFFF000  }
0x10e: {  	[tilespmem:s18], [sflag:$0x4] =	stream.linear.gather [hbm4b:s1+s2], $0x1000, $0x38;
	[tilespmem:$0x14800] =	vst v63  }
0x10f: {  	_ = 	snop  }
0x110: {  	[hbm4b:s31+s2] =	stream.linear.scatter [tilespmem:s6], [sflag:$0x7], $0x1000, $0x38;
	[tilespmem:$0x14800] =	vst v63  }
0x111: {  	_ =	swait.ge [sflag:s25], $0x1000  }
0x112: {  	[sflag:s25] =	ssyncset.done $0x0  }
0x113: {  	[sflag:s25] =	ssyncadd.s32 $0xFFFFF000  }
0x114: {  	_ =	swait.ge [sflag:s8], $0x1000  }
0x115: {  	[sflag:s8] =	ssyncset.done $0x0  }
0x116: {  	[sflag:s8] =	ssyncadd.s32 $0xFFFFF000  }
0x117: {  	[tilespmem:s6], [sflag:$0x5] =	stream.indirect.gather [spmem:s3], $0x1, s21, s10, $0xb8;
	[tilespmem:$0x14800] =	vst v63  }
0x118: {  	_ =	swait.ge [sflag:s17], $0x1000  }
0x119: {  	s1 =	sld [smem:$0x7F9]  }
0x11a: {  	[sflag:s17] =	ssyncset.done $0x0  }
0x11b: {  	s31 =	sld [smem:$0x7FA];
	[sflag:s17] =	ssyncadd.s32 $0xFFFFF000  }
0x11c: {  	[tilespmem:s7], [sflag:$0x2] =	stream.linear.gather [hbm4b:s1+s2], $0x1000, $0x38;
	[tilespmem:$0x14800] =	vst v63  }
0x11d: {  	_ = 	snop  }
0x11e: {  	[hbm4b:s31+s2] =	stream.linear.scatter [tilespmem:s13], [sflag:$0x8], $0x1000, $0x38;
	[tilespmem:$0x14800] =	vst v63  }
0x11f: {  	_ =	swait.ge [sflag:s22], $0x1000  }
0x120: {  	[sflag:s22] =	ssyncset.done $0x0  }
0x121: {  	[sflag:s22] =	ssyncadd.s32 $0xFFFFF000  }
0x122: {  	_ =	swait.ge [sflag:s12], $0x1000  }
0x123: {  	[sflag:s12] =	ssyncset.done $0x0  }
0x124: {  	[sflag:s12] =	ssyncadd.s32 $0xFFFFF000  }
0x125: {  	[tilespmem:s13], [sflag:$0x6] =	stream.indirect.gather [spmem:s3], $0x1, s18, s10, $0xb8;
	[tilespmem:$0x14800] =	vst v63  }
0x126: {  	_ =	swait.ge [sflag:s11], $0x1000  }
0x127: {  	s1 =	sld [smem:$0x7FB]  }
0x128: {  	[sflag:s11] =	ssyncset.done $0x0  }
0x129: {  	s31 =	sld [smem:$0x7FC];
	[sflag:s11] =	ssyncadd.s32 $0xFFFFF000  }
0x12a: {  	[tilespmem:s21], [sflag:$0x3] =	stream.linear.gather [hbm4b:s1+s2], $0x1000, $0x38;
	[tilespmem:$0x14800] =	vst v63  }
0x12b: {  	_ = 	snop  }
0x12c: {  	[hbm4b:s31+s2] =	stream.linear.scatter [tilespmem:s6], [sflag:$0x7], $0x1000, $0x38;
	[tilespmem:$0x14800] =	vst v63  }
0x12d: {  	_ =	swait.ge [sflag:s14], $0x1000  }
0x12e: {  	[sflag:s14] =	ssyncset.done $0x0  }
0x12f: {  	[sflag:s14] =	ssyncadd.s32 $0xFFFFF000  }
0x130: {  	_ =	swait.ge [sflag:s8], $0x1000  }
0x131: {  	[sflag:s8] =	ssyncset.done $0x0  }
0x132: {  	[sflag:s8] =	ssyncadd.s32 $0xFFFFF000  }
0x133: {  	[tilespmem:s6], [sflag:$0x5] =	stream.indirect.gather [spmem:s3], $0x1, s7, s10, $0xb8;
	[tilespmem:$0x14800] =	vst v63  }
0x134: {  	_ =	swait.ge [sflag:s17], $0x1000  }
0x135: {  	s1 =	sld [smem:$0x7FD]  }
0x136: {  	[sflag:s17] =	ssyncset.done $0x0  }
0x137: {  	[sflag:s17] =	ssyncadd.s32 $0xFFFFF000  }
0x138: {  	[tilespmem:s18], [sflag:$0x4] =	stream.linear.gather [hbm4b:s1+s2], $0x1000, $0x38;
	[tilespmem:$0x14800] =	vst v63  }
0x139: {  	_ = 	snop  }
0x13a: {  	[hbm4b:s29+s2] =	stream.linear.scatter [tilespmem:s13], [sflag:$0x8], $0x1000, $0x38;
	[tilespmem:$0x14800] =	vst v63  }
0x13b: {  	_ =	swait.ge [sflag:s25], $0x1000  }
0x13c: {  	[sflag:s25] =	ssyncset.done $0x0  }
0x13d: {  	[sflag:s25] =	ssyncadd.s32 $0xFFFFF000  }
0x13e: {  	_ =	swait.ge [sflag:s12], $0x1000  }
0x13f: {  	[sflag:s12] =	ssyncset.done $0x0  }
0x140: {  	[sflag:s12] =	ssyncadd.s32 $0xFFFFF000  }
0x141: {  	[tilespmem:s13], [sflag:$0x6] =	stream.indirect.gather [spmem:s3], $0x1, s21, s10, $0xb8;
	[tilespmem:$0x14800] =	vst v63  }
0x142: {  	_ =	swait.ge [sflag:s11], $0x1000  }
0x143: {  	[sflag:s11] =	ssyncset.done $0x0  }
0x144: {  	[sflag:s11] =	ssyncadd.s32 $0xFFFFF000  }
0x145: {  	[tilespmem:s7], [sflag:$0x2] =	stream.linear.gather [hbm4b:s26+s2], $0x1000, $0x38;
	[tilespmem:$0x14800] =	vst v63  }
0x146: {  	_ = 	snop  }
0x147: {  	[hbm4b:s28+s2] =	stream.linear.scatter [tilespmem:s6], [sflag:$0x7], $0x1000, $0x38;
	[tilespmem:$0x14800] =	vst v63  }
0x148: {  	_ =	swait.ge [sflag:s22], $0x1000  }
0x149: {  	[sflag:s22] =	ssyncset.done $0x0  }
0x14a: {  	[sflag:s22] =	ssyncadd.s32 $0xFFFFF000  }
0x14b: {  	_ =	swait.ge [sflag:s8], $0x1000  }
0x14c: {  	[sflag:s8] =	ssyncset.done $0x0  }
0x14d: {  	[sflag:s8] =	ssyncadd.s32 $0xFFFFF000  }
0x14e: {  	[tilespmem:s6], [sflag:$0x5] =	stream.indirect.gather [spmem:s3], $0x1, s18, s10, $0xb8;
	[tilespmem:$0x14800] =	vst v63  }
0x14f: {  	_ =	swait.ge [sflag:s17], $0x1000  }
0x150: {  	[sflag:s17] =	ssyncset.done $0x0  }
0x151: {  	[sflag:s17] =	ssyncadd.s32 $0xFFFFF000  }
0x152: {  	[tilespmem:s21], [sflag:$0x3] =	stream.linear.gather [hbm4b:s23+s2], $0x1000, $0x38;
	[tilespmem:$0x14800] =	vst v63  }
0x153: {  	_ = 	snop  }
0x154: {  	[hbm4b:s24+s2] =	stream.linear.scatter [tilespmem:s13], [sflag:$0x8], $0x1000, $0x38;
	[tilespmem:$0x14800] =	vst v63  }
0x155: {  	_ =	swait.ge [sflag:s14], $0x1000  }
0x156: {  	[sflag:s14] =	ssyncset.done $0x0  }
0x157: {  	[sflag:s14] =	ssyncadd.s32 $0xFFFFF000  }
0x158: {  	_ =	swait.ge [sflag:s12], $0x1000  }
0x159: {  	[sflag:s12] =	ssyncset.done $0x0  }
0x15a: {  	[sflag:s12] =	ssyncadd.s32 $0xFFFFF000  }
0x15b: {  	[tilespmem:s13], [sflag:$0x6] =	stream.indirect.gather [spmem:s3], $0x1, s7, s10, $0xb8;
	[tilespmem:$0x14800] =	vst v63  }
0x15c: {  	_ =	swait.ge [sflag:s11], $0x1000  }
0x15d: {  	[sflag:s11] =	ssyncset.done $0x0  }
0x15e: {  	[sflag:s11] =	ssyncadd.s32 $0xFFFFF000  }
0x15f: {  	[tilespmem:s18], [sflag:$0x4] =	stream.linear.gather [hbm4b:s19+s2], $0x1000, $0x38;
	[tilespmem:$0x14800] =	vst v63  }
0x160: {  	_ = 	snop  }
0x161: {  	[hbm4b:s20+s2] =	stream.linear.scatter [tilespmem:s6], [sflag:$0x7], $0x1000, $0x38;
	[tilespmem:$0x14800] =	vst v63  }
0x162: {  	_ =	swait.ge [sflag:s25], $0x1000  }
0x163: {  	[sflag:s25] =	ssyncset.done $0x0  }
0x164: {  	[sflag:s25] =	ssyncadd.s32 $0xFFFFF000  }
0x165: {  	_ =	swait.ge [sflag:s8], $0x1000  }
0x166: {  	[sflag:s8] =	ssyncset.done $0x0  }
0x167: {  	[sflag:s8] =	ssyncadd.s32 $0xFFFFF000  }
0x168: {  	[tilespmem:s6], [sflag:$0x5] =	stream.indirect.gather [spmem:s3], $0x1, s21, s10, $0xb8;
	[tilespmem:$0x14800] =	vst v63  }
0x169: {  	_ =	swait.ge [sflag:s17], $0x1000  }
0x16a: {  	[sflag:s17] =	ssyncset.done $0x0  }
0x16b: {  	[sflag:s17] =	ssyncadd.s32 $0xFFFFF000  }
0x16c: {  	[tilespmem:s7], [sflag:$0x2] =	stream.linear.gather [hbm4b:s15+s2], $0x1000, $0x38;
	[tilespmem:$0x14800] =	vst v63  }
0x16d: {  	_ = 	snop  }
0x16e: {  	[hbm4b:s16+s2] =	stream.linear.scatter [tilespmem:s13], [sflag:$0x8], $0x1000, $0x38;
	[tilespmem:$0x14800] =	vst v63  }
0x16f: {  	_ =	swait.ge [sflag:s22], $0x1000  }
0x170: {  	[sflag:s22] =	ssyncset.done $0x0  }
0x171: {  	[sflag:s22] =	ssyncadd.s32 $0xFFFFF000  }
0x172: {  	_ =	swait.ge [sflag:s12], $0x1000  }
0x173: {  	[sflag:s12] =	ssyncset.done $0x0  }
0x174: {  	[sflag:s12] =	ssyncadd.s32 $0xFFFFF000  }
0x175: {  	[tilespmem:s13], [sflag:$0x6] =	stream.indirect.gather [spmem:s3], $0x1, s18, s10, $0xb8;
	[tilespmem:$0x14800] =	vst v63  }
0x176: {  	_ =	swait.ge [sflag:s11], $0x1000  }
0x177: {  	[sflag:s11] =	ssyncset.done $0x0  }
0x178: {  	[sflag:s11] =	ssyncadd.s32 $0xFFFFF000  }
0x179: {  	[hbm4b:s9+s2] =	stream.linear.scatter [tilespmem:s6], [sflag:$0x7], $0x1000, $0x38;
	[tilespmem:$0x14800] =	vst v63  }
0x17a: {  	_ =	swait.ge [sflag:s14], $0x1000  }
0x17b: {  	[sflag:s14] =	ssyncset.done $0x0  }
0x17c: {  	[sflag:s14] =	ssyncadd.s32 $0xFFFFF000  }
0x17d: {  	_ =	swait.ge [sflag:s8], $0x1000  }
0x17e: {  	[sflag:s8] =	ssyncset.done $0x0  }
0x17f: {  	[sflag:s8] =	ssyncadd.s32 $0xFFFFF000  }
0x180: {  	[tilespmem:s6], [sflag:$0x5] =	stream.indirect.gather [spmem:s3], $0x1, s7, s10, $0xb8;
	[tilespmem:$0x14800] =	vst v63  }
0x181: {  	_ =	swait.ge [sflag:s17], $0x1000  }
0x182: {  	[sflag:s17] =	ssyncset.done $0x0  }
0x183: {  	[sflag:s17] =	ssyncadd.s32 $0xFFFFF000  }
0x184: {  	[hbm4b:s5+s2] =	stream.linear.scatter [tilespmem:s13], [sflag:$0x8], $0x1000, $0x38;
	[tilespmem:$0x14800] =	vst v63  }
0x185: {  	_ =	swait.ge [sflag:s11], $0x1000  }
0x186: {  	[sflag:s11] =	ssyncset.done $0x0  }
0x187: {  	[sflag:s11] =	ssyncadd.s32 $0xFFFFF000  }
0x188: {  	[hbm4b:s4+s2] =	stream.linear.scatter [tilespmem:s6], [sflag:$0x7], $0x1000, $0x38;
	[tilespmem:$0x14800] =	vst v63  }
0x189: {  	_ =	swait.ge [sflag:s12], $0x1000  }
0x18a: {  	s31 =	sld [smem:$0x7EF];
	_ =	sdelay $0x2  }
0x18b: {  	p1 =	sne.s32 s31, $0x1  }
.Ltmp1:
0x18c: {  	[sflag:s12] =	ssyncset.done $0x0;
	(pc) =	sbr.rel @!p1 .LBB2_2-.Ltmp1, $4  }
0x18d: {  	[sflag:s12] =	ssyncadd.s32 $0xFFFFF000  }
0x18e: {  	_ =	swait.ge [sflag:s8], $0x1000  }
0x18f: {  	p0 =	por $0x1, $0x1;
	s1 =	rddreg [dreg:$0x5]  }
0x190: {  	s0 =	sadd.s32 $0xFFFFFFFF, s31;
	[sflag:s8] =	ssyncset.done $0x0;
	[smem:$0x7F0] =	sst s30  }
.LBB2_3:
0x191: {  	s31 =	smov.u32 s29;
	s29 =	smov.u32 s28;
	s28 =	smov.u32 s26  }
0x192: {  	s26 =	smov.u32 s24;
	s24 =	smov.u32 s23;
	s23 =	smov.u32 s20  }
0x193: {  	s20 =	smov.u32 s19;
	s19 =	smov.u32 s16;
	s30 =	sld [smem:$0x7F0]  }
0x194: {  	s16 =	smov.u32 s15;
	s15 =	smov.u32 s9;
	s9 =	smov.u32 s5  }
0x195: {  	s5 =	smov.u32 s4;
	s4 =	rddreg [dreg:$0x6];
	[sflag:s8] =	ssyncadd.s32 $0xFFFFF000  }
0x196: {  	[spmem:s30], [sflag:s4] =	dma.local [hbm:s1], $0x1F00  }
0x197: {  	s1 =	rddreg [dreg:$0x7]  }
0x198: {  	[tilespmem:s7], [sflag:$0x2] =	stream.linear.gather [hbm4b:s1+s2], $0x1000, $0x38;
	[tilespmem:$0x14800] =	vst v63  }
0x199: {  	s4 =	rddreg [dreg:$0x8]  }
0x19a: {  	[tilespmem:s21], [sflag:$0x3] =	stream.linear.gather [hbm4b:s4+s2], $0x1000, $0x38;
	[tilespmem:$0x14800] =	vst v63  }
0x19b: {  	s30 =	rddreg [dreg:$0x9]  }
0x19c: {  	[tilespmem:s18], [sflag:$0x4] =	stream.linear.gather [hbm4b:s30+s2], $0x1000, $0x38;
	[tilespmem:$0x14800] =	vst v63  }
0x19d: {  	s30 =	simm.s32 $0x1  }
0x19e: {  	_ =	swait.ge [sflag:s30], $0x1F00  }
0x19f: {  	[sflag:s30] =	ssyncset.done $0x0  }
0x1a0: {  	[sflag:s30] =	ssyncadd.s32 $0xFFFFE100  }
0x1a1: {  	[bflag:$0x0] =	sbarrier.arrive $0xFFFF  }
0x1a2: {  	_ =	swait.ge [sflag:s14], $0x1000  }
0x1a3: {  	[sflag:s14] =	ssyncset.done $0x0  }
0x1a4: {  	[sflag:s14] =	ssyncadd.s32 $0xFFFFF000  }
0x1a5: {  	[tilespmem:s6], [sflag:$0x5] =	stream.indirect.gather [spmem:s3], $0x1, s7, s10, $0xb8;
	[tilespmem:$0x14800] =	vst v63  }
0x1a6: {  	_ =	swait.ge [sflag:s25], $0x1000  }
0x1a7: {  	[sflag:s25] =	ssyncset.done $0x0  }
0x1a8: {  	[sflag:s25] =	ssyncadd.s32 $0xFFFFF000  }
0x1a9: {  	[tilespmem:s13], [sflag:$0x6] =	stream.indirect.gather [spmem:s3], $0x1, s21, s10, $0xb8;
	[tilespmem:$0x14800] =	vst v63  }
0x1aa: {  	_ =	swait.ge [sflag:s11], $0x1000  }
0x1ab: {  	[sflag:s11] =	ssyncset.done $0x0  }
0x1ac: {  	s4 =	rddreg [dreg:$0xa];
	[sflag:s11] =	ssyncadd.s32 $0xFFFFF000  }
0x1ad: {  	[tilespmem:s7], [sflag:$0x2] =	stream.linear.gather [hbm4b:s4+s2], $0x1000, $0x38;
	[tilespmem:$0x14800] =	vst v63  }
0x1ae: {  	s30 =	rddreg [dreg:$0xb]  }
0x1af: {  	[hbm4b:s30+s2] =	stream.linear.scatter [tilespmem:s6], [sflag:$0x7], $0x1000, $0x38;
	[tilespmem:$0x14800] =	vst v63  }
0x1b0: {  	_ =	swait.ge [sflag:s22], $0x1000  }
0x1b1: {  	[sflag:s22] =	ssyncset.done $0x0  }
0x1b2: {  	[sflag:s22] =	ssyncadd.s32 $0xFFFFF000  }
0x1b3: {  	_ =	swait.ge [sflag:s8], $0x1000  }
0x1b4: {  	[sflag:s8] =	ssyncset.done $0x0  }
0x1b5: {  	[sflag:s8] =	ssyncadd.s32 $0xFFFFF000  }
0x1b6: {  	[tilespmem:s6], [sflag:$0x5] =	stream.indirect.gather [spmem:s3], $0x1, s18, s10, $0xb8;
	[tilespmem:$0x14800] =	vst v63  }
0x1b7: {  	_ =	swait.ge [sflag:s17], $0x1000  }
0x1b8: {  	[sflag:s17] =	ssyncset.done $0x0  }
0x1b9: {  	s4 =	rddreg [dreg:$0xc];
	[sflag:s17] =	ssyncadd.s32 $0xFFFFF000  }
0x1ba: {  	[tilespmem:s21], [sflag:$0x3] =	stream.linear.gather [hbm4b:s4+s2], $0x1000, $0x38;
	[tilespmem:$0x14800] =	vst v63  }
0x1bb: {  	s30 =	rddreg [dreg:$0xd]  }
0x1bc: {  	[hbm4b:s30+s2] =	stream.linear.scatter [tilespmem:s13], [sflag:$0x8], $0x1000, $0x38;
	[tilespmem:$0x14800] =	vst v63  }
0x1bd: {  	_ =	swait.ge [sflag:s14], $0x1000  }
0x1be: {  	[sflag:s14] =	ssyncset.done $0x0  }
0x1bf: {  	[sflag:s14] =	ssyncadd.s32 $0xFFFFF000  }
0x1c0: {  	_ =	swait.ge [sflag:s12], $0x1000  }
0x1c1: {  	[sflag:s12] =	ssyncset.done $0x0  }
0x1c2: {  	[sflag:s12] =	ssyncadd.s32 $0xFFFFF000  }
0x1c3: {  	[tilespmem:s13], [sflag:$0x6] =	stream.indirect.gather [spmem:s3], $0x1, s7, s10, $0xb8;
	[tilespmem:$0x14800] =	vst v63  }
0x1c4: {  	_ =	swait.ge [sflag:s11], $0x1000  }
0x1c5: {  	[sflag:s11] =	ssyncset.done $0x0  }
0x1c6: {  	s4 =	rddreg [dreg:$0xe];
	[sflag:s11] =	ssyncadd.s32 $0xFFFFF000  }
0x1c7: {  	[tilespmem:s18], [sflag:$0x4] =	stream.linear.gather [hbm4b:s4+s2], $0x1000, $0x38;
	[tilespmem:$0x14800] =	vst v63  }
0x1c8: {  	s30 =	rddreg [dreg:$0xf]  }
0x1c9: {  	[hbm4b:s30+s2] =	stream.linear.scatter [tilespmem:s6], [sflag:$0x7], $0x1000, $0x38;
	[tilespmem:$0x14800] =	vst v63  }
0x1ca: {  	_ =	swait.ge [sflag:s25], $0x1000  }
0x1cb: {  	[sflag:s25] =	ssyncset.done $0x0  }
0x1cc: {  	[sflag:s25] =	ssyncadd.s32 $0xFFFFF000  }
0x1cd: {  	_ =	swait.ge [sflag:s8], $0x1000  }
0x1ce: {  	[sflag:s8] =	ssyncset.done $0x0  }
0x1cf: {  	[sflag:s8] =	ssyncadd.s32 $0xFFFFF000  }
0x1d0: {  	[tilespmem:s6], [sflag:$0x5] =	stream.indirect.gather [spmem:s3], $0x1, s21, s10, $0xb8;
	[tilespmem:$0x14800] =	vst v63  }
0x1d1: {  	_ =	swait.ge [sflag:s17], $0x1000  }
0x1d2: {  	[sflag:s17] =	ssyncset.done $0x0  }
0x1d3: {  	s4 =	rddreg [dreg:$0x10];
	[sflag:s17] =	ssyncadd.s32 $0xFFFFF000  }
0x1d4: {  	[tilespmem:s7], [sflag:$0x2] =	stream.linear.gather [hbm4b:s4+s2], $0x1000, $0x38;
	[tilespmem:$0x14800] =	vst v63  }
0x1d5: {  	s30 =	rddreg [dreg:$0x11]  }
0x1d6: {  	[hbm4b:s30+s2] =	stream.linear.scatter [tilespmem:s13], [sflag:$0x8], $0x1000, $0x38;
	[tilespmem:$0x14800] =	vst v63  }
0x1d7: {  	_ =	swait.ge [sflag:s22], $0x1000  }
0x1d8: {  	[sflag:s22] =	ssyncset.done $0x0  }
0x1d9: {  	[sflag:s22] =	ssyncadd.s32 $0xFFFFF000  }
0x1da: {  	_ =	swait.ge [sflag:s12], $0x1000  }
0x1db: {  	[sflag:s12] =	ssyncset.done $0x0  }
0x1dc: {  	[sflag:s12] =	ssyncadd.s32 $0xFFFFF000  }
0x1dd: {  	[tilespmem:s13], [sflag:$0x6] =	stream.indirect.gather [spmem:s3], $0x1, s18, s10, $0xb8;
	[tilespmem:$0x14800] =	vst v63  }
0x1de: {  	_ =	swait.ge [sflag:s11], $0x1000  }
0x1df: {  	[sflag:s11] =	ssyncset.done $0x0  }
0x1e0: {  	s4 =	rddreg [dreg:$0x12];
	[sflag:s11] =	ssyncadd.s32 $0xFFFFF000  }
0x1e1: {  	[tilespmem:s21], [sflag:$0x3] =	stream.linear.gather [hbm4b:s4+s2], $0x1000, $0x38;
	[tilespmem:$0x14800] =	vst v63  }
0x1e2: {  	s30 =	rddreg [dreg:$0x13]  }
0x1e3: {  	[hbm4b:s30+s2] =	stream.linear.scatter [tilespmem:s6], [sflag:$0x7], $0x1000, $0x38;
	[tilespmem:$0x14800] =	vst v63  }
0x1e4: {  	_ =	swait.ge [sflag:s14], $0x1000  }
0x1e5: {  	[sflag:s14] =	ssyncset.done $0x0  }
0x1e6: {  	[sflag:s14] =	ssyncadd.s32 $0xFFFFF000  }
0x1e7: {  	_ =	swait.ge [sflag:s8], $0x1000  }
0x1e8: {  	[sflag:s8] =	ssyncset.done $0x0  }
0x1e9: {  	[sflag:s8] =	ssyncadd.s32 $0xFFFFF000  }
0x1ea: {  	[tilespmem:s6], [sflag:$0x5] =	stream.indirect.gather [spmem:s3], $0x1, s7, s10, $0xb8;
	[tilespmem:$0x14800] =	vst v63  }
0x1eb: {  	_ =	swait.ge [sflag:s17], $0x1000  }
0x1ec: {  	[sflag:s17] =	ssyncset.done $0x0  }
0x1ed: {  	s4 =	rddreg [dreg:$0x14];
	[sflag:s17] =	ssyncadd.s32 $0xFFFFF000  }
0x1ee: {  	[tilespmem:s18], [sflag:$0x4] =	stream.linear.gather [hbm4b:s4+s2], $0x1000, $0x38;
	[tilespmem:$0x14800] =	vst v63  }
0x1ef: {  	s30 =	rddreg [dreg:$0x15]  }
0x1f0: {  	[hbm4b:s30+s2] =	stream.linear.scatter [tilespmem:s13], [sflag:$0x8], $0x1000, $0x38;
	[tilespmem:$0x14800] =	vst v63  }
0x1f1: {  	_ =	swait.ge [sflag:s25], $0x1000  }
0x1f2: {  	[sflag:s25] =	ssyncset.done $0x0  }
0x1f3: {  	[sflag:s25] =	ssyncadd.s32 $0xFFFFF000  }
0x1f4: {  	_ =	swait.ge [sflag:s12], $0x1000  }
0x1f5: {  	[sflag:s12] =	ssyncset.done $0x0  }
0x1f6: {  	[sflag:s12] =	ssyncadd.s32 $0xFFFFF000  }
0x1f7: {  	[tilespmem:s13], [sflag:$0x6] =	stream.indirect.gather [spmem:s3], $0x1, s21, s10, $0xb8;
	[tilespmem:$0x14800] =	vst v63  }
0x1f8: {  	_ =	swait.ge [sflag:s11], $0x1000  }
0x1f9: {  	[sflag:s11] =	ssyncset.done $0x0  }
0x1fa: {  	s4 =	rddreg [dreg:$0x16];
	[sflag:s11] =	ssyncadd.s32 $0xFFFFF000  }
0x1fb: {  	[tilespmem:s7], [sflag:$0x2] =	stream.linear.gather [hbm4b:s4+s2], $0x1000, $0x38;
	[tilespmem:$0x14800] =	vst v63  }
0x1fc: {  	s30 =	rddreg [dreg:$0x17]  }
0x1fd: {  	[hbm4b:s30+s2] =	stream.linear.scatter [tilespmem:s6], [sflag:$0x7], $0x1000, $0x38;
	[tilespmem:$0x14800] =	vst v63  }
0x1fe: {  	_ =	swait.ge [sflag:s22], $0x1000  }
0x1ff: {  	[sflag:s22] =	ssyncset.done $0x0  }
0x200: {  	[sflag:s22] =	ssyncadd.s32 $0xFFFFF000  }
0x201: {  	_ =	swait.ge [sflag:s8], $0x1000  }
0x202: {  	[sflag:s8] =	ssyncset.done $0x0  }
0x203: {  	[sflag:s8] =	ssyncadd.s32 $0xFFFFF000  }
0x204: {  	[tilespmem:s6], [sflag:$0x5] =	stream.indirect.gather [spmem:s3], $0x1, s18, s10, $0xb8;
	[tilespmem:$0x14800] =	vst v63  }
0x205: {  	_ =	swait.ge [sflag:s17], $0x1000  }
0x206: {  	[sflag:s17] =	ssyncset.done $0x0  }
0x207: {  	s4 =	rddreg [dreg:$0x18];
	[sflag:s17] =	ssyncadd.s32 $0xFFFFF000  }
0x208: {  	[tilespmem:s21], [sflag:$0x3] =	stream.linear.gather [hbm4b:s4+s2], $0x1000, $0x38;
	[tilespmem:$0x14800] =	vst v63  }
0x209: {  	s30 =	rddreg [dreg:$0x19]  }
0x20a: {  	[hbm4b:s30+s2] =	stream.linear.scatter [tilespmem:s13], [sflag:$0x8], $0x1000, $0x38;
	[tilespmem:$0x14800] =	vst v63  }
0x20b: {  	_ =	swait.ge [sflag:s14], $0x1000  }
0x20c: {  	[sflag:s14] =	ssyncset.done $0x0  }
0x20d: {  	[sflag:s14] =	ssyncadd.s32 $0xFFFFF000  }
0x20e: {  	_ =	swait.ge [sflag:s12], $0x1000  }
0x20f: {  	[sflag:s12] =	ssyncset.done $0x0  }
0x210: {  	[sflag:s12] =	ssyncadd.s32 $0xFFFFF000  }
0x211: {  	[tilespmem:s13], [sflag:$0x6] =	stream.indirect.gather [spmem:s3], $0x1, s7, s10, $0xb8;
	[tilespmem:$0x14800] =	vst v63  }
0x212: {  	_ =	swait.ge [sflag:s11], $0x1000  }
0x213: {  	[sflag:s11] =	ssyncset.done $0x0  }
0x214: {  	s4 =	rddreg [dreg:$0x1a];
	[sflag:s11] =	ssyncadd.s32 $0xFFFFF000  }
0x215: {  	[tilespmem:s18], [sflag:$0x4] =	stream.linear.gather [hbm4b:s4+s2], $0x1000, $0x38;
	[tilespmem:$0x14800] =	vst v63  }
0x216: {  	s30 =	rddreg [dreg:$0x1b]  }
0x217: {  	[hbm4b:s30+s2] =	stream.linear.scatter [tilespmem:s6], [sflag:$0x7], $0x1000, $0x38;
	[tilespmem:$0x14800] =	vst v63  }
0x218: {  	_ =	swait.ge [sflag:s25], $0x1000  }
0x219: {  	[sflag:s25] =	ssyncset.done $0x0  }
0x21a: {  	[sflag:s25] =	ssyncadd.s32 $0xFFFFF000  }
0x21b: {  	_ =	swait.ge [sflag:s8], $0x1000  }
0x21c: {  	[sflag:s8] =	ssyncset.done $0x0  }
0x21d: {  	[sflag:s8] =	ssyncadd.s32 $0xFFFFF000  }
0x21e: {  	[tilespmem:s6], [sflag:$0x5] =	stream.indirect.gather [spmem:s3], $0x1, s21, s10, $0xb8;
	[tilespmem:$0x14800] =	vst v63  }
0x21f: {  	_ =	swait.ge [sflag:s17], $0x1000  }
0x220: {  	[sflag:s17] =	ssyncset.done $0x0  }
0x221: {  	s4 =	rddreg [dreg:$0x1c];
	[sflag:s17] =	ssyncadd.s32 $0xFFFFF000  }
0x222: {  	[tilespmem:s7], [sflag:$0x2] =	stream.linear.gather [hbm4b:s4+s2], $0x1000, $0x38;
	[tilespmem:$0x14800] =	vst v63  }
0x223: {  	s30 =	rddreg [dreg:$0x1d]  }
0x224: {  	[hbm4b:s30+s2] =	stream.linear.scatter [tilespmem:s13], [sflag:$0x8], $0x1000, $0x38;
	[tilespmem:$0x14800] =	vst v63  }
0x225: {  	_ =	swait.ge [sflag:s22], $0x1000  }
0x226: {  	[sflag:s22] =	ssyncset.done $0x0  }
0x227: {  	[sflag:s22] =	ssyncadd.s32 $0xFFFFF000  }
0x228: {  	_ =	swait.ge [sflag:s12], $0x1000  }
0x229: {  	[sflag:s12] =	ssyncset.done $0x0  }
0x22a: {  	[sflag:s12] =	ssyncadd.s32 $0xFFFFF000  }
0x22b: {  	[tilespmem:s13], [sflag:$0x6] =	stream.indirect.gather [spmem:s3], $0x1, s18, s10, $0xb8;
	[tilespmem:$0x14800] =	vst v63  }
0x22c: {  	_ =	swait.ge [sflag:s11], $0x1000  }
0x22d: {  	[sflag:s11] =	ssyncset.done $0x0  }
0x22e: {  	s4 =	rddreg [dreg:$0x1e];
	[sflag:s11] =	ssyncadd.s32 $0xFFFFF000  }
0x22f: {  	[tilespmem:s21], [sflag:$0x3] =	stream.linear.gather [hbm4b:s4+s2], $0x1000, $0x38;
	[tilespmem:$0x14800] =	vst v63  }
0x230: {  	s30 =	rddreg [dreg:$0x1f]  }
0x231: {  	[hbm4b:s30+s2] =	stream.linear.scatter [tilespmem:s6], [sflag:$0x7], $0x1000, $0x38;
	[tilespmem:$0x14800] =	vst v63  }
0x232: {  	_ =	swait.ge [sflag:s14], $0x1000  }
0x233: {  	[sflag:s14] =	ssyncset.done $0x0  }
0x234: {  	[sflag:s14] =	ssyncadd.s32 $0xFFFFF000  }
0x235: {  	_ =	swait.ge [sflag:s8], $0x1000  }
0x236: {  	[sflag:s8] =	ssyncset.done $0x0  }
0x237: {  	[sflag:s8] =	ssyncadd.s32 $0xFFFFF000  }
0x238: {  	[tilespmem:s6], [sflag:$0x5] =	stream.indirect.gather [spmem:s3], $0x1, s7, s10, $0xb8;
	[tilespmem:$0x14800] =	vst v63  }
0x239: {  	_ =	swait.ge [sflag:s17], $0x1000  }
0x23a: {  	s4 =	sld [smem:$0x7F1]  }
0x23b: {  	[sflag:s17] =	ssyncset.done $0x0  }
0x23c: {  	s30 =	sld [smem:$0x7F2];
	[sflag:s17] =	ssyncadd.s32 $0xFFFFF000  }
0x23d: {  	[tilespmem:s18], [sflag:$0x4] =	stream.linear.gather [hbm4b:s4+s2], $0x1000, $0x38;
	[tilespmem:$0x14800] =	vst v63  }
0x23e: {  	_ = 	snop  }
0x23f: {  	[hbm4b:s30+s2] =	stream.linear.scatter [tilespmem:s13], [sflag:$0x8], $0x1000, $0x38;
	[tilespmem:$0x14800] =	vst v63  }
0x240: {  	_ =	swait.ge [sflag:s25], $0x1000  }
0x241: {  	[sflag:s25] =	ssyncset.done $0x0  }
0x242: {  	[sflag:s25] =	ssyncadd.s32 $0xFFFFF000  }
0x243: {  	_ =	swait.ge [sflag:s12], $0x1000  }
0x244: {  	[sflag:s12] =	ssyncset.done $0x0  }
0x245: {  	[sflag:s12] =	ssyncadd.s32 $0xFFFFF000  }
0x246: {  	[tilespmem:s13], [sflag:$0x6] =	stream.indirect.gather [spmem:s3], $0x1, s21, s10, $0xb8;
	[tilespmem:$0x14800] =	vst v63  }
0x247: {  	_ =	swait.ge [sflag:s11], $0x1000  }
0x248: {  	s4 =	sld [smem:$0x7F3]  }
0x249: {  	[sflag:s11] =	ssyncset.done $0x0  }
0x24a: {  	s30 =	sld [smem:$0x7F4];
	[sflag:s11] =	ssyncadd.s32 $0xFFFFF000  }
0x24b: {  	[tilespmem:s7], [sflag:$0x2] =	stream.linear.gather [hbm4b:s4+s2], $0x1000, $0x38;
	[tilespmem:$0x14800] =	vst v63  }
0x24c: {  	_ = 	snop  }
0x24d: {  	[hbm4b:s30+s2] =	stream.linear.scatter [tilespmem:s6], [sflag:$0x7], $0x1000, $0x38;
	[tilespmem:$0x14800] =	vst v63  }
0x24e: {  	_ =	swait.ge [sflag:s22], $0x1000  }
0x24f: {  	[sflag:s22] =	ssyncset.done $0x0  }
0x250: {  	[sflag:s22] =	ssyncadd.s32 $0xFFFFF000  }
0x251: {  	_ =	swait.ge [sflag:s8], $0x1000  }
0x252: {  	[sflag:s8] =	ssyncset.done $0x0  }
0x253: {  	[sflag:s8] =	ssyncadd.s32 $0xFFFFF000  }
0x254: {  	[tilespmem:s6], [sflag:$0x5] =	stream.indirect.gather [spmem:s3], $0x1, s18, s10, $0xb8;
	[tilespmem:$0x14800] =	vst v63  }
0x255: {  	_ =	swait.ge [sflag:s17], $0x1000  }
0x256: {  	s4 =	sld [smem:$0x7F5]  }
0x257: {  	[sflag:s17] =	ssyncset.done $0x0  }
0x258: {  	s30 =	sld [smem:$0x7F6];
	[sflag:s17] =	ssyncadd.s32 $0xFFFFF000  }
0x259: {  	[tilespmem:s21], [sflag:$0x3] =	stream.linear.gather [hbm4b:s4+s2], $0x1000, $0x38;
	[tilespmem:$0x14800] =	vst v63  }
0x25a: {  	_ = 	snop  }
0x25b: {  	[hbm4b:s30+s2] =	stream.linear.scatter [tilespmem:s13], [sflag:$0x8], $0x1000, $0x38;
	[tilespmem:$0x14800] =	vst v63  }
0x25c: {  	_ =	swait.ge [sflag:s14], $0x1000  }
0x25d: {  	[sflag:s14] =	ssyncset.done $0x0  }
0x25e: {  	[sflag:s14] =	ssyncadd.s32 $0xFFFFF000  }
0x25f: {  	_ =	swait.ge [sflag:s12], $0x1000  }
0x260: {  	[sflag:s12] =	ssyncset.done $0x0  }
0x261: {  	[sflag:s12] =	ssyncadd.s32 $0xFFFFF000  }
0x262: {  	[tilespmem:s13], [sflag:$0x6] =	stream.indirect.gather [spmem:s3], $0x1, s7, s10, $0xb8;
	[tilespmem:$0x14800] =	vst v63  }
0x263: {  	_ =	swait.ge [sflag:s11], $0x1000  }
0x264: {  	s4 =	sld [smem:$0x7F7]  }
0x265: {  	[sflag:s11] =	ssyncset.done $0x0  }
0x266: {  	s30 =	sld [smem:$0x7F8];
	[sflag:s11] =	ssyncadd.s32 $0xFFFFF000  }
0x267: {  	[tilespmem:s18], [sflag:$0x4] =	stream.linear.gather [hbm4b:s4+s2], $0x1000, $0x38;
	[tilespmem:$0x14800] =	vst v63  }
0x268: {  	_ = 	snop  }
0x269: {  	[hbm4b:s30+s2] =	stream.linear.scatter [tilespmem:s6], [sflag:$0x7], $0x1000, $0x38;
	[tilespmem:$0x14800] =	vst v63  }
0x26a: {  	_ =	swait.ge [sflag:s25], $0x1000  }
0x26b: {  	[sflag:s25] =	ssyncset.done $0x0  }
0x26c: {  	[sflag:s25] =	ssyncadd.s32 $0xFFFFF000  }
0x26d: {  	_ =	swait.ge [sflag:s8], $0x1000  }
0x26e: {  	[sflag:s8] =	ssyncset.done $0x0  }
0x26f: {  	[sflag:s8] =	ssyncadd.s32 $0xFFFFF000  }
0x270: {  	[tilespmem:s6], [sflag:$0x5] =	stream.indirect.gather [spmem:s3], $0x1, s21, s10, $0xb8;
	[tilespmem:$0x14800] =	vst v63  }
0x271: {  	_ =	swait.ge [sflag:s17], $0x1000  }
0x272: {  	s4 =	sld [smem:$0x7F9]  }
0x273: {  	[sflag:s17] =	ssyncset.done $0x0  }
0x274: {  	s30 =	sld [smem:$0x7FA];
	[sflag:s17] =	ssyncadd.s32 $0xFFFFF000  }
0x275: {  	[tilespmem:s7], [sflag:$0x2] =	stream.linear.gather [hbm4b:s4+s2], $0x1000, $0x38;
	[tilespmem:$0x14800] =	vst v63  }
0x276: {  	_ = 	snop  }
0x277: {  	[hbm4b:s30+s2] =	stream.linear.scatter [tilespmem:s13], [sflag:$0x8], $0x1000, $0x38;
	[tilespmem:$0x14800] =	vst v63  }
0x278: {  	_ =	swait.ge [sflag:s22], $0x1000  }
0x279: {  	[sflag:s22] =	ssyncset.done $0x0  }
0x27a: {  	[sflag:s22] =	ssyncadd.s32 $0xFFFFF000  }
0x27b: {  	_ =	swait.ge [sflag:s12], $0x1000  }
0x27c: {  	[sflag:s12] =	ssyncset.done $0x0  }
0x27d: {  	[sflag:s12] =	ssyncadd.s32 $0xFFFFF000  }
0x27e: {  	[tilespmem:s13], [sflag:$0x6] =	stream.indirect.gather [spmem:s3], $0x1, s18, s10, $0xb8;
	[tilespmem:$0x14800] =	vst v63  }
0x27f: {  	_ =	swait.ge [sflag:s11], $0x1000  }
0x280: {  	s4 =	sld [smem:$0x7FB]  }
0x281: {  	[sflag:s11] =	ssyncset.done $0x0  }
0x282: {  	s30 =	sld [smem:$0x7FC];
	[sflag:s11] =	ssyncadd.s32 $0xFFFFF000  }
0x283: {  	[tilespmem:s21], [sflag:$0x3] =	stream.linear.gather [hbm4b:s4+s2], $0x1000, $0x38;
	[tilespmem:$0x14800] =	vst v63  }
0x284: {  	_ = 	snop  }
0x285: {  	[hbm4b:s30+s2] =	stream.linear.scatter [tilespmem:s6], [sflag:$0x7], $0x1000, $0x38;
	[tilespmem:$0x14800] =	vst v63  }
0x286: {  	_ =	swait.ge [sflag:s14], $0x1000  }
0x287: {  	[sflag:s14] =	ssyncset.done $0x0  }
0x288: {  	[sflag:s14] =	ssyncadd.s32 $0xFFFFF000  }
0x289: {  	_ =	swait.ge [sflag:s8], $0x1000  }
0x28a: {  	[sflag:s8] =	ssyncset.done $0x0  }
0x28b: {  	[sflag:s8] =	ssyncadd.s32 $0xFFFFF000  }
0x28c: {  	[tilespmem:s6], [sflag:$0x5] =	stream.indirect.gather [spmem:s3], $0x1, s7, s10, $0xb8;
	[tilespmem:$0x14800] =	vst v63  }
0x28d: {  	_ =	swait.ge [sflag:s17], $0x1000  }
0x28e: {  	s30 =	sld [smem:$0x7FD]  }
0x28f: {  	[sflag:s17] =	ssyncset.done $0x0  }
0x290: {  	[sflag:s17] =	ssyncadd.s32 $0xFFFFF000  }
0x291: {  	[tilespmem:s18], [sflag:$0x4] =	stream.linear.gather [hbm4b:s30+s2], $0x1000, $0x38;
	[tilespmem:$0x14800] =	vst v63  }
0x292: {  	_ = 	snop  }
0x293: {  	[hbm4b:s31+s2] =	stream.linear.scatter [tilespmem:s13], [sflag:$0x8], $0x1000, $0x38;
	[tilespmem:$0x14800] =	vst v63  }
0x294: {  	_ =	swait.ge [sflag:s25], $0x1000  }
0x295: {  	[sflag:s25] =	ssyncset.done $0x0  }
0x296: {  	[sflag:s25] =	ssyncadd.s32 $0xFFFFF000  }
0x297: {  	_ =	swait.ge [sflag:s12], $0x1000  }
0x298: {  	s4 =	smov.u32 s5;
	s5 =	smov.u32 s9;
	[sflag:s12] =	ssyncset.done $0x0  }
0x299: {  	s9 =	smov.u32 s15;
	s15 =	smov.u32 s16;
	[sflag:s12] =	ssyncadd.s32 $0xFFFFF000  }
0x29a: {  	[tilespmem:s13], [sflag:$0x6] =	stream.indirect.gather [spmem:s3], $0x1, s21, s10, $0xb8;
	[tilespmem:$0x14800] =	vst v63  }
0x29b: {  	s16 =	smov.u32 s19;
	s19 =	smov.u32 s20;
	_ =	swait.ge [sflag:s11], $0x1000  }
0x29c: {  	s20 =	smov.u32 s23;
	s23 =	smov.u32 s24;
	[sflag:s11] =	ssyncset.done $0x0  }
0x29d: {  	s24 =	smov.u32 s26;
	s26 =	smov.u32 s28;
	[sflag:s11] =	ssyncadd.s32 $0xFFFFF000  }
0x29e: {  	[tilespmem:s7], [sflag:$0x2] =	stream.linear.gather [hbm4b:s26+s2], $0x1000, $0x38;
	[tilespmem:$0x14800] =	vst v63  }
0x29f: {  	s28 =	smov.u32 s29  }
0x2a0: {  	[hbm4b:s28+s2] =	stream.linear.scatter [tilespmem:s6], [sflag:$0x7], $0x1000, $0x38;
	[tilespmem:$0x14800] =	vst v63  }
0x2a1: {  	_ =	swait.ge [sflag:s22], $0x1000  }
0x2a2: {  	[sflag:s22] =	ssyncset.done $0x0  }
0x2a3: {  	[sflag:s22] =	ssyncadd.s32 $0xFFFFF000  }
0x2a4: {  	_ =	swait.ge [sflag:s8], $0x1000  }
0x2a5: {  	[sflag:s8] =	ssyncset.done $0x0  }
0x2a6: {  	[sflag:s8] =	ssyncadd.s32 $0xFFFFF000  }
0x2a7: {  	[tilespmem:s6], [sflag:$0x5] =	stream.indirect.gather [spmem:s3], $0x1, s18, s10, $0xb8;
	[tilespmem:$0x14800] =	vst v63  }
0x2a8: {  	_ =	swait.ge [sflag:s17], $0x1000  }
0x2a9: {  	[sflag:s17] =	ssyncset.done $0x0  }
0x2aa: {  	[sflag:s17] =	ssyncadd.s32 $0xFFFFF000  }
0x2ab: {  	[tilespmem:s21], [sflag:$0x3] =	stream.linear.gather [hbm4b:s23+s2], $0x1000, $0x38;
	[tilespmem:$0x14800] =	vst v63  }
0x2ac: {  	_ = 	snop  }
0x2ad: {  	[hbm4b:s24+s2] =	stream.linear.scatter [tilespmem:s13], [sflag:$0x8], $0x1000, $0x38;
	[tilespmem:$0x14800] =	vst v63  }
0x2ae: {  	_ =	swait.ge [sflag:s14], $0x1000  }
0x2af: {  	[sflag:s14] =	ssyncset.done $0x0  }
0x2b0: {  	[sflag:s14] =	ssyncadd.s32 $0xFFFFF000  }
0x2b1: {  	_ =	swait.ge [sflag:s12], $0x1000  }
0x2b2: {  	[sflag:s12] =	ssyncset.done $0x0  }
0x2b3: {  	[sflag:s12] =	ssyncadd.s32 $0xFFFFF000  }
0x2b4: {  	[tilespmem:s13], [sflag:$0x6] =	stream.indirect.gather [spmem:s3], $0x1, s7, s10, $0xb8;
	[tilespmem:$0x14800] =	vst v63  }
0x2b5: {  	_ =	swait.ge [sflag:s11], $0x1000  }
0x2b6: {  	[sflag:s11] =	ssyncset.done $0x0  }
0x2b7: {  	[sflag:s11] =	ssyncadd.s32 $0xFFFFF000  }
0x2b8: {  	[tilespmem:s18], [sflag:$0x4] =	stream.linear.gather [hbm4b:s19+s2], $0x1000, $0x38;
	[tilespmem:$0x14800] =	vst v63  }
0x2b9: {  	_ = 	snop  }
0x2ba: {  	[hbm4b:s20+s2] =	stream.linear.scatter [tilespmem:s6], [sflag:$0x7], $0x1000, $0x38;
	[tilespmem:$0x14800] =	vst v63  }
0x2bb: {  	_ =	swait.ge [sflag:s25], $0x1000  }
0x2bc: {  	[sflag:s25] =	ssyncset.done $0x0  }
0x2bd: {  	[sflag:s25] =	ssyncadd.s32 $0xFFFFF000  }
0x2be: {  	_ =	swait.ge [sflag:s8], $0x1000  }
0x2bf: {  	[sflag:s8] =	ssyncset.done $0x0  }
0x2c0: {  	[sflag:s8] =	ssyncadd.s32 $0xFFFFF000  }
0x2c1: {  	[tilespmem:s6], [sflag:$0x5] =	stream.indirect.gather [spmem:s3], $0x1, s21, s10, $0xb8;
	[tilespmem:$0x14800] =	vst v63  }
0x2c2: {  	_ =	swait.ge [sflag:s17], $0x1000  }
0x2c3: {  	[sflag:s17] =	ssyncset.done $0x0  }
0x2c4: {  	[sflag:s17] =	ssyncadd.s32 $0xFFFFF000  }
0x2c5: {  	[tilespmem:s7], [sflag:$0x2] =	stream.linear.gather [hbm4b:s15+s2], $0x1000, $0x38;
	[tilespmem:$0x14800] =	vst v63  }
0x2c6: {  	_ = 	snop  }
0x2c7: {  	[hbm4b:s16+s2] =	stream.linear.scatter [tilespmem:s13], [sflag:$0x8], $0x1000, $0x38;
	[tilespmem:$0x14800] =	vst v63  }
0x2c8: {  	_ =	swait.ge [sflag:s22], $0x1000  }
0x2c9: {  	[sflag:s22] =	ssyncset.done $0x0  }
0x2ca: {  	[sflag:s22] =	ssyncadd.s32 $0xFFFFF000  }
0x2cb: {  	_ =	swait.ge [sflag:s12], $0x1000  }
0x2cc: {  	[sflag:s12] =	ssyncset.done $0x0  }
0x2cd: {  	[sflag:s12] =	ssyncadd.s32 $0xFFFFF000  }
0x2ce: {  	[tilespmem:s13], [sflag:$0x6] =	stream.indirect.gather [spmem:s3], $0x1, s18, s10, $0xb8;
	[tilespmem:$0x14800] =	vst v63  }
0x2cf: {  	_ =	swait.ge [sflag:s11], $0x1000  }
0x2d0: {  	[sflag:s11] =	ssyncset.done $0x0  }
0x2d1: {  	[sflag:s11] =	ssyncadd.s32 $0xFFFFF000  }
0x2d2: {  	[hbm4b:s9+s2] =	stream.linear.scatter [tilespmem:s6], [sflag:$0x7], $0x1000, $0x38;
	[tilespmem:$0x14800] =	vst v63  }
0x2d3: {  	_ =	swait.ge [sflag:s14], $0x1000  }
0x2d4: {  	[sflag:s14] =	ssyncset.done $0x0  }
0x2d5: {  	[sflag:s14] =	ssyncadd.s32 $0xFFFFF000  }
0x2d6: {  	_ =	swait.ge [sflag:s8], $0x1000  }
0x2d7: {  	[sflag:s8] =	ssyncset.done $0x0  }
0x2d8: {  	[sflag:s8] =	ssyncadd.s32 $0xFFFFF000  }
0x2d9: {  	[tilespmem:s6], [sflag:$0x5] =	stream.indirect.gather [spmem:s3], $0x1, s7, s10, $0xb8;
	[tilespmem:$0x14800] =	vst v63  }
0x2da: {  	_ =	swait.ge [sflag:s17], $0x1000  }
0x2db: {  	[sflag:s17] =	ssyncset.done $0x0  }
0x2dc: {  	[sflag:s17] =	ssyncadd.s32 $0xFFFFF000  }
0x2dd: {  	[hbm4b:s5+s2] =	stream.linear.scatter [tilespmem:s13], [sflag:$0x8], $0x1000, $0x38;
	[tilespmem:$0x14800] =	vst v63  }
0x2de: {  	_ =	swait.ge [sflag:s11], $0x1000  }
0x2df: {  	[sflag:s11] =	ssyncset.done $0x0  }
0x2e0: {  	p1 =	sne.s32 s0, $0x1;
	[sflag:s11] =	ssyncadd.s32 $0xFFFFF000  }
0x2e1: {  	[hbm4b:s4+s2] =	stream.linear.scatter [tilespmem:s6], [sflag:$0x7], $0x1000, $0x38;
	[tilespmem:$0x14800] =	vst v63  }
.Ltmp2:
0x2e2: {  	_ =	swait.ge [sflag:s12], $0x1000;
	(pc) =	sbr.rel @p1 .LBB2_3-.Ltmp2, $4  }
0x2e3: {  	[sflag:s12] =	ssyncset.done $0x0  }
0x2e4: {  	[sflag:s12] =	ssyncadd.s32 $0xFFFFF000  }
0x2e5: {  	s0 =	sadd.s32 $0xFFFFFFFF, s0;
	_ =	swait.ge [sflag:s8], $0x1000  }
0x2e6: {  	s29 =	smov.u32 s31;
	s1 =	rddreg [dreg:$0x5];
	[sflag:s8] =	ssyncset.done $0x0  }
0x2e7: {  	s30 =	sld [smem:$0x7F0];
	s31 =	simm.s32 $0x1  }
.LBB2_5:
0x2e8: {  	_ = 	snop  }
0x2e9: {  	s0 =	rddreg [dreg:$0x6];
	[sflag:s8] =	ssyncadd.s32 @p0 $0xFFFFF000  }
0x2ea: {  	[spmem:s30], [sflag:s0] =	dma.local [hbm:s1], $0x1F00  }
0x2eb: {  	s0 =	rddreg [dreg:$0x7]  }
0x2ec: {  	[tilespmem:s7], [sflag:$0x2] =	stream.linear.gather [hbm4b:s0+s2], $0x1000, $0x38;
	[tilespmem:$0x14800] =	vst v63  }
0x2ed: {  	s1 =	rddreg [dreg:$0x8]  }
0x2ee: {  	[tilespmem:s21], [sflag:$0x3] =	stream.linear.gather [hbm4b:s1+s2], $0x1000, $0x38;
	[tilespmem:$0x14800] =	vst v63  }
0x2ef: {  	s30 =	rddreg [dreg:$0x9]  }
0x2f0: {  	[tilespmem:s18], [sflag:$0x4] =	stream.linear.gather [hbm4b:s30+s2], $0x1000, $0x38;
	[tilespmem:$0x14800] =	vst v63  }
0x2f1: {  	_ =	swait.ge [sflag:s31], $0x1F00  }
0x2f2: {  	[sflag:s31] =	ssyncset.done $0x0  }
0x2f3: {  	[sflag:s31] =	ssyncadd.s32 $0xFFFFE100  }
0x2f4: {  	[bflag:$0x0] =	sbarrier.arrive $0xFFFF  }
0x2f5: {  	_ =	swait.ge [sflag:s14], $0x1000  }
0x2f6: {  	[sflag:s14] =	ssyncset.done $0x0  }
0x2f7: {  	[sflag:s14] =	ssyncadd.s32 $0xFFFFF000  }
0x2f8: {  	[tilespmem:s6], [sflag:$0x5] =	stream.indirect.gather [spmem:s3], $0x1, s7, s10, $0xb8;
	[tilespmem:$0x14800] =	vst v63  }
0x2f9: {  	_ =	swait.ge [sflag:s25], $0x1000  }
0x2fa: {  	[sflag:s25] =	ssyncset.done $0x0  }
0x2fb: {  	[sflag:s25] =	ssyncadd.s32 $0xFFFFF000  }
0x2fc: {  	[tilespmem:s13], [sflag:$0x6] =	stream.indirect.gather [spmem:s3], $0x1, s21, s10, $0xb8;
	[tilespmem:$0x14800] =	vst v63  }
0x2fd: {  	_ =	swait.ge [sflag:s11], $0x1000  }
0x2fe: {  	[sflag:s11] =	ssyncset.done $0x0  }
0x2ff: {  	s30 =	rddreg [dreg:$0xa];
	[sflag:s11] =	ssyncadd.s32 $0xFFFFF000  }
0x300: {  	[tilespmem:s7], [sflag:$0x2] =	stream.linear.gather [hbm4b:s30+s2], $0x1000, $0x38;
	[tilespmem:$0x14800] =	vst v63  }
0x301: {  	s31 =	rddreg [dreg:$0xb]  }
0x302: {  	[hbm4b:s31+s2] =	stream.linear.scatter [tilespmem:s6], [sflag:$0x7], $0x1000, $0x38;
	[tilespmem:$0x14800] =	vst v63  }
0x303: {  	_ =	swait.ge [sflag:s22], $0x1000  }
0x304: {  	[sflag:s22] =	ssyncset.done $0x0  }
0x305: {  	[sflag:s22] =	ssyncadd.s32 $0xFFFFF000  }
0x306: {  	_ =	swait.ge [sflag:s8], $0x1000  }
0x307: {  	[sflag:s8] =	ssyncset.done $0x0  }
0x308: {  	[sflag:s8] =	ssyncadd.s32 $0xFFFFF000  }
0x309: {  	[tilespmem:s6], [sflag:$0x5] =	stream.indirect.gather [spmem:s3], $0x1, s18, s10, $0xb8;
	[tilespmem:$0x14800] =	vst v63  }
0x30a: {  	_ =	swait.ge [sflag:s17], $0x1000  }
0x30b: {  	[sflag:s17] =	ssyncset.done $0x0  }
0x30c: {  	s30 =	rddreg [dreg:$0xc];
	[sflag:s17] =	ssyncadd.s32 $0xFFFFF000  }
0x30d: {  	[tilespmem:s21], [sflag:$0x3] =	stream.linear.gather [hbm4b:s30+s2], $0x1000, $0x38;
	[tilespmem:$0x14800] =	vst v63  }
0x30e: {  	s31 =	rddreg [dreg:$0xd]  }
0x30f: {  	[hbm4b:s31+s2] =	stream.linear.scatter [tilespmem:s13], [sflag:$0x8], $0x1000, $0x38;
	[tilespmem:$0x14800] =	vst v63  }
0x310: {  	_ =	swait.ge [sflag:s14], $0x1000  }
0x311: {  	[sflag:s14] =	ssyncset.done $0x0  }
0x312: {  	[sflag:s14] =	ssyncadd.s32 $0xFFFFF000  }
0x313: {  	_ =	swait.ge [sflag:s12], $0x1000  }
0x314: {  	[sflag:s12] =	ssyncset.done $0x0  }
0x315: {  	[sflag:s12] =	ssyncadd.s32 $0xFFFFF000  }
0x316: {  	[tilespmem:s13], [sflag:$0x6] =	stream.indirect.gather [spmem:s3], $0x1, s7, s10, $0xb8;
	[tilespmem:$0x14800] =	vst v63  }
0x317: {  	_ =	swait.ge [sflag:s11], $0x1000  }
0x318: {  	[sflag:s11] =	ssyncset.done $0x0  }
0x319: {  	s30 =	rddreg [dreg:$0xe];
	[sflag:s11] =	ssyncadd.s32 $0xFFFFF000  }
0x31a: {  	[tilespmem:s18], [sflag:$0x4] =	stream.linear.gather [hbm4b:s30+s2], $0x1000, $0x38;
	[tilespmem:$0x14800] =	vst v63  }
0x31b: {  	s31 =	rddreg [dreg:$0xf]  }
0x31c: {  	[hbm4b:s31+s2] =	stream.linear.scatter [tilespmem:s6], [sflag:$0x7], $0x1000, $0x38;
	[tilespmem:$0x14800] =	vst v63  }
0x31d: {  	_ =	swait.ge [sflag:s25], $0x1000  }
0x31e: {  	[sflag:s25] =	ssyncset.done $0x0  }
0x31f: {  	[sflag:s25] =	ssyncadd.s32 $0xFFFFF000  }
0x320: {  	_ =	swait.ge [sflag:s8], $0x1000  }
0x321: {  	[sflag:s8] =	ssyncset.done $0x0  }
0x322: {  	[sflag:s8] =	ssyncadd.s32 $0xFFFFF000  }
0x323: {  	[tilespmem:s6], [sflag:$0x5] =	stream.indirect.gather [spmem:s3], $0x1, s21, s10, $0xb8;
	[tilespmem:$0x14800] =	vst v63  }
0x324: {  	_ =	swait.ge [sflag:s17], $0x1000  }
0x325: {  	[sflag:s17] =	ssyncset.done $0x0  }
0x326: {  	s30 =	rddreg [dreg:$0x10];
	[sflag:s17] =	ssyncadd.s32 $0xFFFFF000  }
0x327: {  	[tilespmem:s7], [sflag:$0x2] =	stream.linear.gather [hbm4b:s30+s2], $0x1000, $0x38;
	[tilespmem:$0x14800] =	vst v63  }
0x328: {  	s31 =	rddreg [dreg:$0x11]  }
0x329: {  	[hbm4b:s31+s2] =	stream.linear.scatter [tilespmem:s13], [sflag:$0x8], $0x1000, $0x38;
	[tilespmem:$0x14800] =	vst v63  }
0x32a: {  	_ =	swait.ge [sflag:s22], $0x1000  }
0x32b: {  	[sflag:s22] =	ssyncset.done $0x0  }
0x32c: {  	[sflag:s22] =	ssyncadd.s32 $0xFFFFF000  }
0x32d: {  	_ =	swait.ge [sflag:s12], $0x1000  }
0x32e: {  	[sflag:s12] =	ssyncset.done $0x0  }
0x32f: {  	[sflag:s12] =	ssyncadd.s32 $0xFFFFF000  }
0x330: {  	[tilespmem:s13], [sflag:$0x6] =	stream.indirect.gather [spmem:s3], $0x1, s18, s10, $0xb8;
	[tilespmem:$0x14800] =	vst v63  }
0x331: {  	_ =	swait.ge [sflag:s11], $0x1000  }
0x332: {  	[sflag:s11] =	ssyncset.done $0x0  }
0x333: {  	s30 =	rddreg [dreg:$0x12];
	[sflag:s11] =	ssyncadd.s32 $0xFFFFF000  }
0x334: {  	[tilespmem:s21], [sflag:$0x3] =	stream.linear.gather [hbm4b:s30+s2], $0x1000, $0x38;
	[tilespmem:$0x14800] =	vst v63  }
0x335: {  	s31 =	rddreg [dreg:$0x13]  }
0x336: {  	[hbm4b:s31+s2] =	stream.linear.scatter [tilespmem:s6], [sflag:$0x7], $0x1000, $0x38;
	[tilespmem:$0x14800] =	vst v63  }
0x337: {  	_ =	swait.ge [sflag:s14], $0x1000  }
0x338: {  	[sflag:s14] =	ssyncset.done $0x0  }
0x339: {  	[sflag:s14] =	ssyncadd.s32 $0xFFFFF000  }
0x33a: {  	_ =	swait.ge [sflag:s8], $0x1000  }
0x33b: {  	[sflag:s8] =	ssyncset.done $0x0  }
0x33c: {  	[sflag:s8] =	ssyncadd.s32 $0xFFFFF000  }
0x33d: {  	[tilespmem:s6], [sflag:$0x5] =	stream.indirect.gather [spmem:s3], $0x1, s7, s10, $0xb8;
	[tilespmem:$0x14800] =	vst v63  }
0x33e: {  	_ =	swait.ge [sflag:s17], $0x1000  }
0x33f: {  	[sflag:s17] =	ssyncset.done $0x0  }
0x340: {  	s30 =	rddreg [dreg:$0x14];
	[sflag:s17] =	ssyncadd.s32 $0xFFFFF000  }
0x341: {  	[tilespmem:s18], [sflag:$0x4] =	stream.linear.gather [hbm4b:s30+s2], $0x1000, $0x38;
	[tilespmem:$0x14800] =	vst v63  }
0x342: {  	s31 =	rddreg [dreg:$0x15]  }
0x343: {  	[hbm4b:s31+s2] =	stream.linear.scatter [tilespmem:s13], [sflag:$0x8], $0x1000, $0x38;
	[tilespmem:$0x14800] =	vst v63  }
0x344: {  	_ =	swait.ge [sflag:s25], $0x1000  }
0x345: {  	[sflag:s25] =	ssyncset.done $0x0  }
0x346: {  	[sflag:s25] =	ssyncadd.s32 $0xFFFFF000  }
0x347: {  	_ =	swait.ge [sflag:s12], $0x1000  }
0x348: {  	[sflag:s12] =	ssyncset.done $0x0  }
0x349: {  	[sflag:s12] =	ssyncadd.s32 $0xFFFFF000  }
0x34a: {  	[tilespmem:s13], [sflag:$0x6] =	stream.indirect.gather [spmem:s3], $0x1, s21, s10, $0xb8;
	[tilespmem:$0x14800] =	vst v63  }
0x34b: {  	_ =	swait.ge [sflag:s11], $0x1000  }
0x34c: {  	[sflag:s11] =	ssyncset.done $0x0  }
0x34d: {  	s30 =	rddreg [dreg:$0x16];
	[sflag:s11] =	ssyncadd.s32 $0xFFFFF000  }
0x34e: {  	[tilespmem:s7], [sflag:$0x2] =	stream.linear.gather [hbm4b:s30+s2], $0x1000, $0x38;
	[tilespmem:$0x14800] =	vst v63  }
0x34f: {  	s31 =	rddreg [dreg:$0x17]  }
0x350: {  	[hbm4b:s31+s2] =	stream.linear.scatter [tilespmem:s6], [sflag:$0x7], $0x1000, $0x38;
	[tilespmem:$0x14800] =	vst v63  }
0x351: {  	_ =	swait.ge [sflag:s22], $0x1000  }
0x352: {  	[sflag:s22] =	ssyncset.done $0x0  }
0x353: {  	[sflag:s22] =	ssyncadd.s32 $0xFFFFF000  }
0x354: {  	_ =	swait.ge [sflag:s8], $0x1000  }
0x355: {  	[sflag:s8] =	ssyncset.done $0x0  }
0x356: {  	[sflag:s8] =	ssyncadd.s32 $0xFFFFF000  }
0x357: {  	[tilespmem:s6], [sflag:$0x5] =	stream.indirect.gather [spmem:s3], $0x1, s18, s10, $0xb8;
	[tilespmem:$0x14800] =	vst v63  }
0x358: {  	_ =	swait.ge [sflag:s17], $0x1000  }
0x359: {  	[sflag:s17] =	ssyncset.done $0x0  }
0x35a: {  	s30 =	rddreg [dreg:$0x18];
	[sflag:s17] =	ssyncadd.s32 $0xFFFFF000  }
0x35b: {  	[tilespmem:s21], [sflag:$0x3] =	stream.linear.gather [hbm4b:s30+s2], $0x1000, $0x38;
	[tilespmem:$0x14800] =	vst v63  }
0x35c: {  	s31 =	rddreg [dreg:$0x19]  }
0x35d: {  	[hbm4b:s31+s2] =	stream.linear.scatter [tilespmem:s13], [sflag:$0x8], $0x1000, $0x38;
	[tilespmem:$0x14800] =	vst v63  }
0x35e: {  	_ =	swait.ge [sflag:s14], $0x1000  }
0x35f: {  	[sflag:s14] =	ssyncset.done $0x0  }
0x360: {  	[sflag:s14] =	ssyncadd.s32 $0xFFFFF000  }
0x361: {  	_ =	swait.ge [sflag:s12], $0x1000  }
0x362: {  	[sflag:s12] =	ssyncset.done $0x0  }
0x363: {  	[sflag:s12] =	ssyncadd.s32 $0xFFFFF000  }
0x364: {  	[tilespmem:s13], [sflag:$0x6] =	stream.indirect.gather [spmem:s3], $0x1, s7, s10, $0xb8;
	[tilespmem:$0x14800] =	vst v63  }
0x365: {  	_ =	swait.ge [sflag:s11], $0x1000  }
0x366: {  	[sflag:s11] =	ssyncset.done $0x0  }
0x367: {  	s30 =	rddreg [dreg:$0x1a];
	[sflag:s11] =	ssyncadd.s32 $0xFFFFF000  }
0x368: {  	[tilespmem:s18], [sflag:$0x4] =	stream.linear.gather [hbm4b:s30+s2], $0x1000, $0x38;
	[tilespmem:$0x14800] =	vst v63  }
0x369: {  	s31 =	rddreg [dreg:$0x1b]  }
0x36a: {  	[hbm4b:s31+s2] =	stream.linear.scatter [tilespmem:s6], [sflag:$0x7], $0x1000, $0x38;
	[tilespmem:$0x14800] =	vst v63  }
0x36b: {  	_ =	swait.ge [sflag:s25], $0x1000  }
0x36c: {  	[sflag:s25] =	ssyncset.done $0x0  }
0x36d: {  	[sflag:s25] =	ssyncadd.s32 $0xFFFFF000  }
0x36e: {  	_ =	swait.ge [sflag:s8], $0x1000  }
0x36f: {  	[sflag:s8] =	ssyncset.done $0x0  }
0x370: {  	[sflag:s8] =	ssyncadd.s32 $0xFFFFF000  }
0x371: {  	[tilespmem:s6], [sflag:$0x5] =	stream.indirect.gather [spmem:s3], $0x1, s21, s10, $0xb8;
	[tilespmem:$0x14800] =	vst v63  }
0x372: {  	_ =	swait.ge [sflag:s17], $0x1000  }
0x373: {  	[sflag:s17] =	ssyncset.done $0x0  }
0x374: {  	s30 =	rddreg [dreg:$0x1c];
	[sflag:s17] =	ssyncadd.s32 $0xFFFFF000  }
0x375: {  	[tilespmem:s7], [sflag:$0x2] =	stream.linear.gather [hbm4b:s30+s2], $0x1000, $0x38;
	[tilespmem:$0x14800] =	vst v63  }
0x376: {  	s31 =	rddreg [dreg:$0x1d]  }
0x377: {  	[hbm4b:s31+s2] =	stream.linear.scatter [tilespmem:s13], [sflag:$0x8], $0x1000, $0x38;
	[tilespmem:$0x14800] =	vst v63  }
0x378: {  	_ =	swait.ge [sflag:s22], $0x1000  }
0x379: {  	[sflag:s22] =	ssyncset.done $0x0  }
0x37a: {  	[sflag:s22] =	ssyncadd.s32 $0xFFFFF000  }
0x37b: {  	_ =	swait.ge [sflag:s12], $0x1000  }
0x37c: {  	[sflag:s12] =	ssyncset.done $0x0  }
0x37d: {  	[sflag:s12] =	ssyncadd.s32 $0xFFFFF000  }
0x37e: {  	[tilespmem:s13], [sflag:$0x6] =	stream.indirect.gather [spmem:s3], $0x1, s18, s10, $0xb8;
	[tilespmem:$0x14800] =	vst v63  }
0x37f: {  	_ =	swait.ge [sflag:s11], $0x1000  }
0x380: {  	[sflag:s11] =	ssyncset.done $0x0  }
0x381: {  	s30 =	rddreg [dreg:$0x1e];
	[sflag:s11] =	ssyncadd.s32 $0xFFFFF000  }
0x382: {  	[tilespmem:s21], [sflag:$0x3] =	stream.linear.gather [hbm4b:s30+s2], $0x1000, $0x38;
	[tilespmem:$0x14800] =	vst v63  }
0x383: {  	s31 =	rddreg [dreg:$0x1f]  }
0x384: {  	[hbm4b:s31+s2] =	stream.linear.scatter [tilespmem:s6], [sflag:$0x7], $0x1000, $0x38;
	[tilespmem:$0x14800] =	vst v63  }
0x385: {  	_ =	swait.ge [sflag:s14], $0x1000  }
0x386: {  	[sflag:s14] =	ssyncset.done $0x0  }
0x387: {  	[sflag:s14] =	ssyncadd.s32 $0xFFFFF000  }
0x388: {  	_ =	swait.ge [sflag:s8], $0x1000  }
0x389: {  	[sflag:s8] =	ssyncset.done $0x0  }
0x38a: {  	[sflag:s8] =	ssyncadd.s32 $0xFFFFF000  }
0x38b: {  	[tilespmem:s6], [sflag:$0x5] =	stream.indirect.gather [spmem:s3], $0x1, s7, s10, $0xb8;
	[tilespmem:$0x14800] =	vst v63  }
0x38c: {  	_ =	swait.ge [sflag:s17], $0x1000  }
0x38d: {  	s30 =	sld [smem:$0x7F1]  }
0x38e: {  	[sflag:s17] =	ssyncset.done $0x0  }
0x38f: {  	s31 =	sld [smem:$0x7F2];
	[sflag:s17] =	ssyncadd.s32 $0xFFFFF000  }
0x390: {  	[tilespmem:s18], [sflag:$0x4] =	stream.linear.gather [hbm4b:s30+s2], $0x1000, $0x38;
	[tilespmem:$0x14800] =	vst v63  }
0x391: {  	_ = 	snop  }
0x392: {  	[hbm4b:s31+s2] =	stream.linear.scatter [tilespmem:s13], [sflag:$0x8], $0x1000, $0x38;
	[tilespmem:$0x14800] =	vst v63  }
0x393: {  	_ =	swait.ge [sflag:s25], $0x1000  }
0x394: {  	[sflag:s25] =	ssyncset.done $0x0  }
0x395: {  	[sflag:s25] =	ssyncadd.s32 $0xFFFFF000  }
0x396: {  	_ =	swait.ge [sflag:s12], $0x1000  }
0x397: {  	[sflag:s12] =	ssyncset.done $0x0  }
0x398: {  	[sflag:s12] =	ssyncadd.s32 $0xFFFFF000  }
0x399: {  	[tilespmem:s13], [sflag:$0x6] =	stream.indirect.gather [spmem:s3], $0x1, s21, s10, $0xb8;
	[tilespmem:$0x14800] =	vst v63  }
0x39a: {  	_ =	swait.ge [sflag:s11], $0x1000  }
0x39b: {  	s30 =	sld [smem:$0x7F3]  }
0x39c: {  	[sflag:s11] =	ssyncset.done $0x0  }
0x39d: {  	s31 =	sld [smem:$0x7F4];
	[sflag:s11] =	ssyncadd.s32 $0xFFFFF000  }
0x39e: {  	[tilespmem:s7], [sflag:$0x2] =	stream.linear.gather [hbm4b:s30+s2], $0x1000, $0x38;
	[tilespmem:$0x14800] =	vst v63  }
0x39f: {  	_ = 	snop  }
0x3a0: {  	[hbm4b:s31+s2] =	stream.linear.scatter [tilespmem:s6], [sflag:$0x7], $0x1000, $0x38;
	[tilespmem:$0x14800] =	vst v63  }
0x3a1: {  	_ =	swait.ge [sflag:s22], $0x1000  }
0x3a2: {  	[sflag:s22] =	ssyncset.done $0x0  }
0x3a3: {  	[sflag:s22] =	ssyncadd.s32 $0xFFFFF000  }
0x3a4: {  	_ =	swait.ge [sflag:s8], $0x1000  }
0x3a5: {  	[sflag:s8] =	ssyncset.done $0x0  }
0x3a6: {  	[sflag:s8] =	ssyncadd.s32 $0xFFFFF000  }
0x3a7: {  	[tilespmem:s6], [sflag:$0x5] =	stream.indirect.gather [spmem:s3], $0x1, s18, s10, $0xb8;
	[tilespmem:$0x14800] =	vst v63  }
0x3a8: {  	_ =	swait.ge [sflag:s17], $0x1000  }
0x3a9: {  	s30 =	sld [smem:$0x7F5]  }
0x3aa: {  	[sflag:s17] =	ssyncset.done $0x0  }
0x3ab: {  	s31 =	sld [smem:$0x7F6];
	[sflag:s17] =	ssyncadd.s32 $0xFFFFF000  }
0x3ac: {  	[tilespmem:s21], [sflag:$0x3] =	stream.linear.gather [hbm4b:s30+s2], $0x1000, $0x38;
	[tilespmem:$0x14800] =	vst v63  }
0x3ad: {  	_ = 	snop  }
0x3ae: {  	[hbm4b:s31+s2] =	stream.linear.scatter [tilespmem:s13], [sflag:$0x8], $0x1000, $0x38;
	[tilespmem:$0x14800] =	vst v63  }
0x3af: {  	_ =	swait.ge [sflag:s14], $0x1000  }
0x3b0: {  	[sflag:s14] =	ssyncset.done $0x0  }
0x3b1: {  	[sflag:s14] =	ssyncadd.s32 $0xFFFFF000  }
0x3b2: {  	_ =	swait.ge [sflag:s12], $0x1000  }
0x3b3: {  	[sflag:s12] =	ssyncset.done $0x0  }
0x3b4: {  	[sflag:s12] =	ssyncadd.s32 $0xFFFFF000  }
0x3b5: {  	[tilespmem:s13], [sflag:$0x6] =	stream.indirect.gather [spmem:s3], $0x1, s7, s10, $0xb8;
	[tilespmem:$0x14800] =	vst v63  }
0x3b6: {  	_ =	swait.ge [sflag:s11], $0x1000  }
0x3b7: {  	s30 =	sld [smem:$0x7F7]  }
0x3b8: {  	[sflag:s11] =	ssyncset.done $0x0  }
0x3b9: {  	s31 =	sld [smem:$0x7F8];
	[sflag:s11] =	ssyncadd.s32 $0xFFFFF000  }
0x3ba: {  	[tilespmem:s18], [sflag:$0x4] =	stream.linear.gather [hbm4b:s30+s2], $0x1000, $0x38;
	[tilespmem:$0x14800] =	vst v63  }
0x3bb: {  	_ = 	snop  }
0x3bc: {  	[hbm4b:s31+s2] =	stream.linear.scatter [tilespmem:s6], [sflag:$0x7], $0x1000, $0x38;
	[tilespmem:$0x14800] =	vst v63  }
0x3bd: {  	_ =	swait.ge [sflag:s25], $0x1000  }
0x3be: {  	[sflag:s25] =	ssyncset.done $0x0  }
0x3bf: {  	[sflag:s25] =	ssyncadd.s32 $0xFFFFF000  }
0x3c0: {  	_ =	swait.ge [sflag:s8], $0x1000  }
0x3c1: {  	[sflag:s8] =	ssyncset.done $0x0  }
0x3c2: {  	[sflag:s8] =	ssyncadd.s32 $0xFFFFF000  }
0x3c3: {  	[tilespmem:s6], [sflag:$0x5] =	stream.indirect.gather [spmem:s3], $0x1, s21, s10, $0xb8;
	[tilespmem:$0x14800] =	vst v63  }
0x3c4: {  	_ =	swait.ge [sflag:s17], $0x1000  }
0x3c5: {  	s30 =	sld [smem:$0x7F9]  }
0x3c6: {  	[sflag:s17] =	ssyncset.done $0x0  }
0x3c7: {  	s31 =	sld [smem:$0x7FA];
	[sflag:s17] =	ssyncadd.s32 $0xFFFFF000  }
0x3c8: {  	[tilespmem:s7], [sflag:$0x2] =	stream.linear.gather [hbm4b:s30+s2], $0x1000, $0x38;
	[tilespmem:$0x14800] =	vst v63  }
0x3c9: {  	_ = 	snop  }
0x3ca: {  	[hbm4b:s31+s2] =	stream.linear.scatter [tilespmem:s13], [sflag:$0x8], $0x1000, $0x38;
	[tilespmem:$0x14800] =	vst v63  }
0x3cb: {  	_ =	swait.ge [sflag:s22], $0x1000  }
0x3cc: {  	[sflag:s22] =	ssyncset.done $0x0  }
0x3cd: {  	[sflag:s22] =	ssyncadd.s32 $0xFFFFF000  }
0x3ce: {  	_ =	swait.ge [sflag:s12], $0x1000  }
0x3cf: {  	[sflag:s12] =	ssyncset.done $0x0  }
0x3d0: {  	[sflag:s12] =	ssyncadd.s32 $0xFFFFF000  }
0x3d1: {  	[tilespmem:s13], [sflag:$0x6] =	stream.indirect.gather [spmem:s3], $0x1, s18, s10, $0xb8;
	[tilespmem:$0x14800] =	vst v63  }
0x3d2: {  	_ =	swait.ge [sflag:s11], $0x1000  }
0x3d3: {  	s30 =	sld [smem:$0x7FB]  }
0x3d4: {  	[sflag:s11] =	ssyncset.done $0x0  }
0x3d5: {  	s31 =	sld [smem:$0x7FC];
	[sflag:s11] =	ssyncadd.s32 $0xFFFFF000  }
0x3d6: {  	[tilespmem:s21], [sflag:$0x3] =	stream.linear.gather [hbm4b:s30+s2], $0x1000, $0x38;
	[tilespmem:$0x14800] =	vst v63  }
0x3d7: {  	_ = 	snop  }
0x3d8: {  	[hbm4b:s31+s2] =	stream.linear.scatter [tilespmem:s6], [sflag:$0x7], $0x1000, $0x38;
	[tilespmem:$0x14800] =	vst v63  }
0x3d9: {  	_ =	swait.ge [sflag:s14], $0x1000  }
0x3da: {  	[sflag:s14] =	ssyncset.done $0x0  }
0x3db: {  	[sflag:s14] =	ssyncadd.s32 $0xFFFFF000  }
0x3dc: {  	_ =	swait.ge [sflag:s8], $0x1000  }
0x3dd: {  	[sflag:s8] =	ssyncset.done $0x0  }
0x3de: {  	[sflag:s8] =	ssyncadd.s32 $0xFFFFF000  }
0x3df: {  	[tilespmem:s6], [sflag:$0x5] =	stream.indirect.gather [spmem:s3], $0x1, s7, s10, $0xb8;
	[tilespmem:$0x14800] =	vst v63  }
0x3e0: {  	_ =	swait.ge [sflag:s17], $0x1000  }
0x3e1: {  	s30 =	sld [smem:$0x7FD]  }
0x3e2: {  	[sflag:s17] =	ssyncset.done $0x0  }
0x3e3: {  	[sflag:s17] =	ssyncadd.s32 $0xFFFFF000  }
0x3e4: {  	[tilespmem:s18], [sflag:$0x4] =	stream.linear.gather [hbm4b:s30+s2], $0x1000, $0x38;
	[tilespmem:$0x14800] =	vst v63  }
0x3e5: {  	_ = 	snop  }
0x3e6: {  	[hbm4b:s29+s2] =	stream.linear.scatter [tilespmem:s13], [sflag:$0x8], $0x1000, $0x38;
	[tilespmem:$0x14800] =	vst v63  }
0x3e7: {  	_ =	swait.ge [sflag:s25], $0x1000  }
0x3e8: {  	[sflag:s25] =	ssyncset.done $0x0  }
0x3e9: {  	[sflag:s25] =	ssyncadd.s32 $0xFFFFF000  }
0x3ea: {  	_ =	swait.ge [sflag:s12], $0x1000  }
0x3eb: {  	[sflag:s12] =	ssyncset.done $0x0  }
0x3ec: {  	[sflag:s12] =	ssyncadd.s32 $0xFFFFF000  }
0x3ed: {  	[tilespmem:s13], [sflag:$0x6] =	stream.indirect.gather [spmem:s3], $0x1, s21, s10, $0xb8;
	[tilespmem:$0x14800] =	vst v63  }
0x3ee: {  	_ =	swait.ge [sflag:s11], $0x1000  }
0x3ef: {  	[sflag:s11] =	ssyncset.done $0x0  }
0x3f0: {  	[sflag:s11] =	ssyncadd.s32 $0xFFFFF000  }
0x3f1: {  	[tilespmem:s7], [sflag:$0x2] =	stream.linear.gather [hbm4b:s26+s2], $0x1000, $0x38;
	[tilespmem:$0x14800] =	vst v63  }
0x3f2: {  	_ = 	snop  }
0x3f3: {  	[hbm4b:s28+s2] =	stream.linear.scatter [tilespmem:s6], [sflag:$0x7], $0x1000, $0x38;
	[tilespmem:$0x14800] =	vst v63  }
0x3f4: {  	_ =	swait.ge [sflag:s22], $0x1000  }
0x3f5: {  	[sflag:s22] =	ssyncset.done $0x0  }
0x3f6: {  	[sflag:s22] =	ssyncadd.s32 $0xFFFFF000  }
0x3f7: {  	_ =	swait.ge [sflag:s8], $0x1000  }
0x3f8: {  	[sflag:s8] =	ssyncset.done $0x0  }
0x3f9: {  	[sflag:s8] =	ssyncadd.s32 $0xFFFFF000  }
0x3fa: {  	[tilespmem:s6], [sflag:$0x5] =	stream.indirect.gather [spmem:s3], $0x1, s18, s10, $0xb8;
	[tilespmem:$0x14800] =	vst v63  }
0x3fb: {  	_ =	swait.ge [sflag:s17], $0x1000  }
0x3fc: {  	[sflag:s17] =	ssyncset.done $0x0  }
0x3fd: {  	[sflag:s17] =	ssyncadd.s32 $0xFFFFF000  }
0x3fe: {  	[tilespmem:s21], [sflag:$0x3] =	stream.linear.gather [hbm4b:s23+s2], $0x1000, $0x38;
	[tilespmem:$0x14800] =	vst v63  }
0x3ff: {  	_ = 	snop  }
0x400: {  	[hbm4b:s24+s2] =	stream.linear.scatter [tilespmem:s13], [sflag:$0x8], $0x1000, $0x38;
	[tilespmem:$0x14800] =	vst v63  }
0x401: {  	_ =	swait.ge [sflag:s14], $0x1000  }
0x402: {  	[sflag:s14] =	ssyncset.done $0x0  }
0x403: {  	[sflag:s14] =	ssyncadd.s32 $0xFFFFF000  }
0x404: {  	_ =	swait.ge [sflag:s12], $0x1000  }
0x405: {  	[sflag:s12] =	ssyncset.done $0x0  }
0x406: {  	[sflag:s12] =	ssyncadd.s32 $0xFFFFF000  }
0x407: {  	[tilespmem:s13], [sflag:$0x6] =	stream.indirect.gather [spmem:s3], $0x1, s7, s10, $0xb8;
	[tilespmem:$0x14800] =	vst v63  }
0x408: {  	_ =	swait.ge [sflag:s11], $0x1000  }
0x409: {  	[sflag:s11] =	ssyncset.done $0x0  }
0x40a: {  	[sflag:s11] =	ssyncadd.s32 $0xFFFFF000  }
0x40b: {  	[tilespmem:s18], [sflag:$0x4] =	stream.linear.gather [hbm4b:s19+s2], $0x1000, $0x38;
	[tilespmem:$0x14800] =	vst v63  }
0x40c: {  	_ = 	snop  }
0x40d: {  	[hbm4b:s20+s2] =	stream.linear.scatter [tilespmem:s6], [sflag:$0x7], $0x1000, $0x38;
	[tilespmem:$0x14800] =	vst v63  }
0x40e: {  	_ =	swait.ge [sflag:s25], $0x1000  }
0x40f: {  	[sflag:s25] =	ssyncset.done $0x0  }
0x410: {  	[sflag:s25] =	ssyncadd.s32 $0xFFFFF000  }
0x411: {  	_ =	swait.ge [sflag:s8], $0x1000  }
0x412: {  	[sflag:s8] =	ssyncset.done $0x0  }
0x413: {  	[sflag:s8] =	ssyncadd.s32 $0xFFFFF000  }
0x414: {  	[tilespmem:s6], [sflag:$0x5] =	stream.indirect.gather [spmem:s3], $0x1, s21, s10, $0xb8;
	[tilespmem:$0x14800] =	vst v63  }
0x415: {  	_ =	swait.ge [sflag:s17], $0x1000  }
0x416: {  	[sflag:s17] =	ssyncset.done $0x0  }
0x417: {  	[sflag:s17] =	ssyncadd.s32 $0xFFFFF000  }
0x418: {  	[tilespmem:s7], [sflag:$0x2] =	stream.linear.gather [hbm4b:s15+s2], $0x1000, $0x38;
	[tilespmem:$0x14800] =	vst v63  }
0x419: {  	_ = 	snop  }
0x41a: {  	[hbm4b:s16+s2] =	stream.linear.scatter [tilespmem:s13], [sflag:$0x8], $0x1000, $0x38;
	[tilespmem:$0x14800] =	vst v63  }
0x41b: {  	_ =	swait.ge [sflag:s22], $0x1000  }
0x41c: {  	[sflag:s22] =	ssyncset.done $0x0  }
0x41d: {  	[sflag:s22] =	ssyncadd.s32 $0xFFFFF000  }
0x41e: {  	_ =	swait.ge [sflag:s12], $0x1000  }
0x41f: {  	[sflag:s12] =	ssyncset.done $0x0  }
0x420: {  	[sflag:s12] =	ssyncadd.s32 $0xFFFFF000  }
0x421: {  	[tilespmem:s13], [sflag:$0x6] =	stream.indirect.gather [spmem:s3], $0x1, s18, s10, $0xb8;
	[tilespmem:$0x14800] =	vst v63  }
0x422: {  	_ =	swait.ge [sflag:s11], $0x1000  }
0x423: {  	[sflag:s11] =	ssyncset.done $0x0  }
0x424: {  	[sflag:s11] =	ssyncadd.s32 $0xFFFFF000  }
0x425: {  	[hbm4b:s9+s2] =	stream.linear.scatter [tilespmem:s6], [sflag:$0x7], $0x1000, $0x38;
	[tilespmem:$0x14800] =	vst v63  }
0x426: {  	_ =	swait.ge [sflag:s14], $0x1000  }
0x427: {  	[sflag:s14] =	ssyncset.done $0x0  }
0x428: {  	[sflag:s14] =	ssyncadd.s32 $0xFFFFF000  }
0x429: {  	_ =	swait.ge [sflag:s8], $0x1000  }
0x42a: {  	[sflag:s8] =	ssyncset.done $0x0  }
0x42b: {  	[sflag:s8] =	ssyncadd.s32 $0xFFFFF000  }
0x42c: {  	[tilespmem:s6], [sflag:$0x5] =	stream.indirect.gather [spmem:s3], $0x1, s7, s10, $0xb8;
	[tilespmem:$0x14800] =	vst v63  }
0x42d: {  	_ =	swait.ge [sflag:s17], $0x1000  }
0x42e: {  	[sflag:s17] =	ssyncset.done $0x0  }
0x42f: {  	[sflag:s17] =	ssyncadd.s32 $0xFFFFF000  }
0x430: {  	[hbm4b:s5+s2] =	stream.linear.scatter [tilespmem:s13], [sflag:$0x8], $0x1000, $0x38;
	[tilespmem:$0x14800] =	vst v63  }
0x431: {  	_ =	swait.ge [sflag:s11], $0x1000  }
0x432: {  	[sflag:s11] =	ssyncset.done $0x0  }
0x433: {  	[sflag:s11] =	ssyncadd.s32 $0xFFFFF000  }
0x434: {  	[hbm4b:s4+s2] =	stream.linear.scatter [tilespmem:s6], [sflag:$0x7], $0x1000, $0x38;
	[tilespmem:$0x14800] =	vst v63  }
0x435: {  	_ =	swait.ge [sflag:s12], $0x1000  }
0x436: {  	[sflag:s12] =	ssyncset.done $0x0  }
0x437: {  	[sflag:s12] =	ssyncadd.s32 $0xFFFFF000  }
0x438: {  	_ =	swait.ge [sflag:s8], $0x1000  }
0x439: {  	[sflag:s8] =	ssyncset.done $0x0  }
0x43a: {  	[sflag:s8] =	ssyncadd.s32 $0xFFFFF000  }
0x43b: {  	_ =	sfence.sel $0x180000  }
0x43c: {  	[bflag:$0x0] =	sbarrier.arrive $0xFFFF  }
0x43d: {  	_ =	strace $0x90000047  }
0x43e: {  	s31 =	stileid.u32;
	[bflag:$0x2] =	sbarrier.arrive $0xFFFF  }
0x43f: {  	p0 =	sne.s32 s31, $0x0;
	s0 =	rddreg [dreg:$0x4]  }
0x440: {  	s0 =	sadd.s32 @!p0 $0x100000, s0  }
0x441: {  	[sflag:s0] =	ssyncadd.tile.s32 @!p0 $0x1;
	_ =	shalt  }
.LBB2_2:
.Ltmp3:
0x442: {  	(pc) =	sbr.rel .LBB2_5-.Ltmp3, $2  }
0x443: {  	_ =	sdelay $0x2  }
0x444: {  	s30 =	sld [smem:$0x7F0];
	s31 =	simm.s32 $0x1  }
.Lfunc_end2:
_tile_overlayer_lowered:
.L_overlay_start_2:
0x445: {  	(tag) =	ssettag $0x2  }
0x446: {  	s0 =	rddreg [dreg:$0x0];
	s2 =	stileid.u32  }
0x447: {  	s1 =	rddreg [dreg:$0x1];
	p0 =	sne.s32 s2, $0x0  }
0x448: {  	s3 =	rddreg [dreg:$0x2];
	[bflag:$0x3] =	sbarrier.arrive $0xFFFF;
	s2 =	simm.s32 @!p0 $0x1C09  }
0x449: {  	[timem:s3], [sflag:s2] =	dma.local @!p0 [hbm:s0], s1  }
0x44a: {  	s0 =	simm.s32 @!p0 $0x9  }
0x44b: {  	_ =	swait.ge @!p0 [sflag:s0], s1  }
0x44c: {  	s1 =	ssub.s32 @!p0 $0x0, s1;
	[sflag:s0] =	ssyncset.done @!p0 $0x0  }
0x44d: {  	[sflag:s0] =	ssyncadd.s32 @!p0 s1  }
0x44e: {  	[bflag:$0x3] =	sbarrier.arrive $0xFFFF  }
0x44f: {  	_ =	shalt  }

</sc_bundles>
